<compile_context>
chip_gen: v7x
topology: tpu7x:2x2x1
jax: 0.10.2.dev20260603
libtpu: 0.0.44.dev20260713+nightly
codegen_flags: <defaults>
</compile_context>

<pallas_src>
import jax
import jax.numpy as jnp
from jax import lax
from jax.experimental import pallas as pl
from jax.experimental.pallas import tpu as pltpu
from jax.experimental.pallas import tpu_sc as plsc

N = 8192
D = 768
F = 1024
E = 64
CAP = 160
EP = 168
TRASH = CAP
R = E * EP

RB = 1024
G = N // RB

NC, NS = 2, 16
NW = NC * NS
CPW = N // NW
CHUNK = 64
NCH = CPW // CHUNK



def _router_body(x_ref, gw_ref, slot_ref, aux_ref, cnt_ref, psum_ref,
                 tril_ref):
    i = pl.program_id(0)

    @pl.when(i == 0)
    def _():
        cnt_ref[...] = jnp.zeros_like(cnt_ref)
        psum_ref[...] = jnp.zeros_like(psum_ref)
        rr = lax.broadcasted_iota(jnp.int32, (RB, RB), 0)
        cc = lax.broadcasted_iota(jnp.int32, (RB, RB), 1)
        tril_ref[...] = (rr >= cc).astype(jnp.bfloat16)

    xb = x_ref[...]
    gw = gw_ref[...]
    logits = lax.dot_general(xb, gw, (((1,), (1,)), ((), ())),
                             preferred_element_type=jnp.float32)
    m = jnp.max(logits, axis=1, keepdims=True)
    ex = jnp.exp(logits - m)
    probs = ex / jnp.sum(ex, axis=1, keepdims=True)

    lane = lax.broadcasted_iota(jnp.int32, (RB, E), 1)
    maxp = jnp.max(probs, axis=1, keepdims=True)
    eidx = jnp.min(jnp.where(probs >= maxp, lane, E), axis=1)
    onehot = (lane == eidx[:, None]).astype(jnp.float32)

    csum = lax.dot_general(tril_ref[...], onehot.astype(jnp.bfloat16),
                           (((1,), (0,)), ((), ())),
                           preferred_element_type=jnp.float32)

    carry = cnt_ref[...]
    rank = jnp.sum(onehot * (csum - 1.0 + carry), axis=1).astype(jnp.int32)
    slot = jnp.where(rank < CAP, eidx * EP + rank, TRASH)
    slot_ref[0, 0, :] = slot

    cnt_ref[...] = carry + csum[RB - 1:RB, :]
    psum_ref[...] = psum_ref[...] + jnp.sum(probs, axis=0, keepdims=True)

    @pl.when(i == pl.num_programs(0) - 1)
    def _():
        n_tok = jnp.float32(N)
        f = cnt_ref[...] / n_tok
        p = psum_ref[...] / n_tok
        aux_ref[...] = jnp.reshape(jnp.float32(E) * jnp.sum(f * p), (1, 1))


_router = pl.pallas_call(
    _router_body,
    grid=(G,),
    in_specs=[
        pl.BlockSpec((RB, D), lambda i: (i, 0)),
        pl.BlockSpec((E, D), lambda i: (0, 0)),
    ],
    out_specs=[
        pl.BlockSpec((1, 1, RB), lambda i: (i, 0, 0)),
        pl.BlockSpec((1, 1), lambda i: (0, 0)),
    ],
    out_shape=[
        jax.ShapeDtypeStruct((G, 1, RB), jnp.int32),
        jax.ShapeDtypeStruct((1, 1), jnp.float32),
    ],
    scratch_shapes=[
        pltpu.VMEM((1, E), jnp.float32),
        pltpu.VMEM((1, E), jnp.float32),
        pltpu.VMEM((RB, RB), jnp.bfloat16),
    ],
)



def _ffn_body(buf_ref, w1_ref, w3_ref, w2_ref, out_ref):
    b = buf_ref[...]
    g = lax.dot_general(b, w1_ref[0], (((1,), (1,)), ((), ())),
                        preferred_element_type=jnp.float32)
    u = lax.dot_general(b, w3_ref[0], (((1,), (1,)), ((), ())),
                        preferred_element_type=jnp.float32)
    h = g * lax.logistic(g) * u
    o = lax.dot_general(h, w2_ref[0], (((1,), (1,)), ((), ())),
                        preferred_element_type=jnp.float32)
    rid = lax.broadcasted_iota(jnp.int32, (EP, D), 0)
    out_ref[...] = jnp.where(rid < CAP, o, 0.0)


_ffn = pl.pallas_call(
    _ffn_body,
    grid=(E,),
    in_specs=[
        pl.BlockSpec((EP, D), lambda i: (i, 0)),
        pl.BlockSpec((1, F, D), lambda i: (i, 0, 0)),
        pl.BlockSpec((1, F, D), lambda i: (i, 0, 0)),
        pl.BlockSpec((1, D, F), lambda i: (i, 0, 0)),
    ],
    out_specs=pl.BlockSpec((EP, D), lambda i: (i, 0)),
    out_shape=jax.ShapeDtypeStruct((R, D), jnp.float32),
)



def _dispatch_body(x_hbm, slot_hbm, buf_hbm, idx_v, rows_v, sems):
    wid = lax.axis_index("s") * NC + lax.axis_index("c")
    pltpu.sync_copy(slot_hbm.at[wid], idx_v)

    def load(j):
        base = wid * CPW + j * CHUNK
        return pltpu.async_copy(
            x_hbm.at[pl.ds(base, CHUNK)], rows_v.at[j % 2], sems.at[j % 2])

    loads = [load(0)]
    for j in range(NCH):
        if j + 1 < NCH:
            loads.append(load(j + 1))
        loads[j].wait()
        pltpu.async_copy(rows_v.at[j % 2], buf_hbm.at[idx_v.at[j]],
                         sems.at[2]).wait()


def _combine_body(eout_hbm, slot_hbm, out_hbm, idx_v, rows_v, sems):
    wid = lax.axis_index("s") * NC + lax.axis_index("c")
    pltpu.sync_copy(slot_hbm.at[wid], idx_v)

    def gather(j):
        return pltpu.async_copy(
            eout_hbm.at[idx_v.at[j]], rows_v.at[j % 2], sems.at[j % 2])

    gathers = [gather(0)]
    for j in range(NCH):
        if j + 1 < NCH:
            gathers.append(gather(j + 1))
        gathers[j].wait()
        base = wid * CPW + j * CHUNK
        pltpu.async_copy(rows_v.at[j % 2], out_hbm.at[pl.ds(base, CHUNK)],
                         sems.at[2]).wait()


_SC_CACHE = {}


def _sc_kernels():
    if "k" not in _SC_CACHE:
        mesh = plsc.VectorSubcoreMesh(
            core_axis_name="c", subcore_axis_name="s",
            num_cores=NC, num_subcores=NS)
        scratch = [
            pltpu.VMEM((NCH, CHUNK), jnp.int32),
            pltpu.VMEM((2, CHUNK, D), jnp.float32),
            pltpu.SemaphoreType.DMA((3,)),
        ]
        dispatch = pl.kernel(
            _dispatch_body,
            out_type=jax.ShapeDtypeStruct((R, D), jnp.float32),
            mesh=mesh, scratch_types=scratch)
        combine = pl.kernel(
            _combine_body,
            out_type=jax.ShapeDtypeStruct((N, D), jnp.float32),
            mesh=mesh, scratch_types=scratch)
        _SC_CACHE["k"] = (dispatch, combine)
    return _SC_CACHE["k"]



def kernel(x, gate_w, w1, w2, w3):
    batch, seq, _ = x.shape
    xf = x.reshape(N, D)
    slot3, aux = _router(xf, gate_w)
    slot = slot3.reshape(NW, NCH, CHUNK)
    dispatch, combine = _sc_kernels()
    buf = dispatch(xf, slot)
    eout = _ffn(buf, w1, w3, w2)
    out = combine(eout, slot)
    return out.reshape(batch, seq, D), aux.reshape(())

# --- scband reference (transcript-rebuilt; emitter-appended) ---
"""Pipeline reference for scband-mo-elayer-33852932227539 (READ-ONLY COPY).

The authoritative reference and input builder live on the scoring server;
editing this copy changes nothing except your own understanding.
"""

import jax, jax.numpy as jnp
import numpy as np

BATCH, SEQ, D_MODEL = 4, 2048, 768
D_FF = 1024
NUM_EXPERTS = 64
TOP_K = 1
CAPACITY_FACTOR = 1.25


def setup_inputs(seed: int = 0) -> dict:
    key = jax.random.key(seed)
    ks = jax.random.split(key, 5)
    x = jax.random.normal(ks[0], (BATCH, SEQ, D_MODEL), dtype=jnp.float32)
    gate_w = jax.random.normal(ks[1], (NUM_EXPERTS, D_MODEL), dtype=jnp.float32) * (D_MODEL ** -0.5)
    w1 = jax.random.normal(ks[2], (NUM_EXPERTS, D_FF, D_MODEL), dtype=jnp.float32) * (D_MODEL ** -0.5)
    w3 = jax.random.normal(ks[3], (NUM_EXPERTS, D_FF, D_MODEL), dtype=jnp.float32) * (D_MODEL ** -0.5)
    w2 = jax.random.normal(ks[4], (NUM_EXPERTS, D_MODEL, D_FF), dtype=jnp.float32) * (D_FF ** -0.5)
    return {"x": x, "gate_w": gate_w, "w1": w1, "w2": w2, "w3": w3}


def reference(x, gate_w, w1, w2, w3):
    batch, seq_len, d_model = x.shape
    x_flat = x.reshape(-1, d_model)
    N = x_flat.shape[0]
    num_experts = gate_w.shape[0]
    top_k = TOP_K

    # Router: linear gate -> softmax -> topk -> renormalize
    router_logits = x_flat @ gate_w.T                      # (N, E)
    router_probs = jax.nn.softmax(router_logits, axis=-1)
    top_k_probs, top_k_indices = jax.lax.top_k(router_probs, top_k)
    top_k_weights = top_k_probs / (jnp.sum(top_k_probs, axis=-1, keepdims=True) + 1e-10)

    capacity = int(N / num_experts * CAPACITY_FACTOR)

    # Pad row N so out-of-capacity / fill indices are routed to a discard slot
    x_pad = jnp.concatenate([x_flat, jnp.zeros((1, d_model), x_flat.dtype)], axis=0)
    out_pad = jnp.zeros((N + 1, d_model), x_flat.dtype)

    for k in range(top_k):
        expert_idx = top_k_indices[:, k]                   # (N,)
        weights = top_k_weights[:, k]                      # (N,)
        w_padv = jnp.concatenate([weights, jnp.zeros((1,), weights.dtype)])
        for e in range(num_experts):
            mask = expert_idx == e
            # first `capacity` token indices assigned to expert e (ascending, as torch.nonzero)
            idx = jnp.nonzero(mask, size=capacity, fill_value=N)[0]
            ein = x_pad[idx]                               # (capacity, d_model) gather
            h = jax.nn.silu(ein @ w1[e].T) * (ein @ w3[e].T)
            eout = h @ w2[e].T                             # (capacity, d_model)
            out_pad = out_pad.at[idx].add(w_padv[idx][:, None] * eout)  # scatter-add

    output = out_pad[:N].reshape(batch, seq_len, d_model)

    # Switch-Transformer load-balance aux loss: E * sum(f_i * P_i)
    one_hot = jax.nn.one_hot(top_k_indices.reshape(-1), num_experts, dtype=router_probs.dtype)
    f = one_hot.mean(axis=0)
    P = router_probs.mean(axis=0)
    aux_loss = num_experts * jnp.sum(f * P)
    return (output, aux_loss)

if __name__ == "__main__":
    import jax
    _d = setup_inputs()
    print(jax.jit(kernel)(*tuple(_d.values())))

</pallas_src>

<mosaic_0001>
#map = affine_map<(d0, d1) -> (0, 0)>
#map1 = affine_map<(d0, d1) -> (0, 0, 0)>
module attributes {stable_mosaic.version = 14 : i64} {
  func.func @_dispatch_body(%arg0: i32, %arg1: i32, %arg2: memref<8192x768xf32, #tpu.memory_space<hbm>>, %arg3: memref<32x4x64xi32, #tpu.memory_space<hbm>>, %arg4: memref<10752x768xf32, #tpu.memory_space<hbm>>, %arg5: memref<4x64xi32, #tpu.memory_space<vmem>>, %arg6: memref<2x64x768xf32, #tpu.memory_space<vmem>>, %arg7: memref<3x!tpu.dma_semaphore, #tpu.memory_space<semaphore_mem>>) attributes {dimension_semantics = [#tpu.dimension_semantics<core_parallel>, #tpu.dimension_semantics<subcore_parallel>], iteration_bounds = array<i64: 2, 16>, scalar_prefetch = 0 : i64, scratch_operands = 3 : i64, tpu.core_type = #tpu.core_type<sc_vector_subcore>, window_params = [{transform_indices = #map}, {transform_indices = #map1}, {transform_indices = #map}]} {
    %mul3A = arith.constant 2 : i32
    %mul3A_0 = arith.muli %arg1, %mul3A : i32
    %add3A = arith.addi %mul3A_0, %arg0 : i32
    "tpu.region"() ({
      %run_scoped3A = tpu.sem_alloc : memref<!tpu.dma_semaphore, #tpu.memory_space<semaphore_mem>>
      %dma_start3A_263 = arith.constant 0 : i32
      %dma_start3A_264 = arith.constant 0 : i32
      %dma_start3A_265 = tpu.memref_slice %arg3[%add3A, %dma_start3A_263, %dma_start3A_264] : memref<32x4x64xi32, #tpu.memory_space<hbm>> -> memref<1x4x64xi32, #tpu.memory_space<hbm>>
      %dma_start3A_266 = tpu.memref_squeeze %dma_start3A_265 : memref<1x4x64xi32, #tpu.memory_space<hbm>> -> memref<4x64xi32, #tpu.memory_space<hbm>>
      %dma_start3A_267 = arith.constant 0 : i32
      %dma_start3A_268 = arith.constant 0 : i32
      %dma_start3A_269 = tpu.memref_slice %arg3[%add3A, %dma_start3A_267, %dma_start3A_268] : memref<32x4x64xi32, #tpu.memory_space<hbm>> -> memref<1x4x64xi32, #tpu.memory_space<hbm>>
      %dma_start3A_270 = tpu.memref_squeeze %dma_start3A_269 : memref<1x4x64xi32, #tpu.memory_space<hbm>> -> memref<4x64xi32, #tpu.memory_space<hbm>>
      tpu.enqueue_dma source(%dma_start3A_270 : memref<4x64xi32, #tpu.memory_space<hbm>>) target(%arg5 : memref<4x64xi32, #tpu.memory_space<vmem>>) target_semaphore(%run_scoped3A : memref<!tpu.dma_semaphore, #tpu.memory_space<semaphore_mem>>)
      %dma_wait3A_271 = arith.constant 0 : i32
      %dma_wait3A_272 = arith.constant 0 : i32
      %dma_wait3A_273 = tpu.memref_slice %arg3[%add3A, %dma_wait3A_271, %dma_wait3A_272] : memref<32x4x64xi32, #tpu.memory_space<hbm>> -> memref<1x4x64xi32, #tpu.memory_space<hbm>>
      %dma_wait3A_274 = tpu.memref_squeeze %dma_wait3A_273 : memref<1x4x64xi32, #tpu.memory_space<hbm>> -> memref<4x64xi32, #tpu.memory_space<hbm>>
      %dma_wait3A_275 = arith.constant 0 : i32
      %dma_wait3A_276 = arith.constant 0 : i32
      %dma_wait3A_277 = tpu.memref_slice %arg3[%add3A, %dma_wait3A_275, %dma_wait3A_276] : memref<32x4x64xi32, #tpu.memory_space<hbm>> -> memref<1x4x64xi32, #tpu.memory_space<hbm>>
      %dma_wait3A_278 = tpu.memref_squeeze %dma_wait3A_277 : memref<1x4x64xi32, #tpu.memory_space<hbm>> -> memref<4x64xi32, #tpu.memory_space<hbm>>
      tpu.wait_dma2 semaphore(%run_scoped3A : memref<!tpu.dma_semaphore, #tpu.memory_space<semaphore_mem>>) src(%dma_wait3A_278 : memref<4x64xi32, #tpu.memory_space<hbm>>) dst(%arg5 : memref<4x64xi32, #tpu.memory_space<vmem>>)
      tpu.yield
    }) : () -> ()
    %mul3A_1 = arith.constant 256 : i32
    %mul3A_2 = arith.muli %add3A, %mul3A_1 : i32
    %add3A_3 = arith.constant 0 : i32
    %add3A_4 = arith.addi %mul3A_2, %add3A_3 : i32
    %dma_start3A = arith.constant 0 : i32
    %dma_start3A_5 = arith.constant 0 : i32
    %dma_start3A_6 = arith.constant 0 : i32
    %dma_start3A_7 = arith.constant 0 : i32
    %dma_start3A_8 = tpu.memref_slice %arg6[%dma_start3A, %dma_start3A_6, %dma_start3A_7] : memref<2x64x768xf32, #tpu.memory_space<vmem>> -> memref<1x64x768xf32, #tpu.memory_space<vmem>>
    %dma_start3A_9 = tpu.memref_squeeze %dma_start3A_8 : memref<1x64x768xf32, #tpu.memory_space<vmem>> -> memref<64x768xf32, #tpu.memory_space<vmem>>
    %dma_start3A_10 = arith.constant 0 : i32
    %dma_start3A_11 = tpu.memref_slice %arg2[%add3A_4, %dma_start3A_10] : memref<8192x768xf32, #tpu.memory_space<hbm>> -> memref<64x768xf32, #tpu.memory_space<hbm>>
    %dma_start3A_12 = tpu.memref_slice %arg7[%dma_start3A_5] : memref<3x!tpu.dma_semaphore, #tpu.memory_space<semaphore_mem>> -> memref<1x!tpu.dma_semaphore, #tpu.memory_space<semaphore_mem>>
    %dma_start3A_13 = tpu.memref_squeeze %dma_start3A_12 : memref<1x!tpu.dma_semaphore, #tpu.memory_space<semaphore_mem>> -> memref<!tpu.dma_semaphore, #tpu.memory_space<semaphore_mem>>
    %dma_start3A_14 = arith.constant 0 : i32
    %dma_start3A_15 = arith.constant 0 : i32
    %dma_start3A_16 = tpu.memref_slice %arg6[%dma_start3A, %dma_start3A_14, %dma_start3A_15] : memref<2x64x768xf32, #tpu.memory_space<vmem>> -> memref<1x64x768xf32, #tpu.memory_space<vmem>>
    %dma_start3A_17 = tpu.memref_squeeze %dma_start3A_16 : memref<1x64x768xf32, #tpu.memory_space<vmem>> -> memref<64x768xf32, #tpu.memory_space<vmem>>
    %dma_start3A_18 = arith.constant 0 : i32
    %dma_start3A_19 = tpu.memref_slice %arg2[%add3A_4, %dma_start3A_18] : memref<8192x768xf32, #tpu.memory_space<hbm>> -> memref<64x768xf32, #tpu.memory_space<hbm>>
    tpu.enqueue_dma source(%dma_start3A_19 : memref<64x768xf32, #tpu.memory_space<hbm>>) target(%dma_start3A_17 : memref<64x768xf32, #tpu.memory_space<vmem>>) target_semaphore(%dma_start3A_13 : memref<!tpu.dma_semaphore, #tpu.memory_space<semaphore_mem>>)
    %mul3A_20 = arith.constant 256 : i32
    %mul3A_21 = arith.muli %add3A, %mul3A_20 : i32
    %add3A_22 = arith.constant 64 : i32
    %add3A_23 = arith.addi %mul3A_21, %add3A_22 : i32
    %dma_start3A_24 = arith.constant 1 : i32
    %dma_start3A_25 = arith.constant 1 : i32
    %dma_start3A_26 = arith.constant 0 : i32
    %dma_start3A_27 = arith.constant 0 : i32
    %dma_start3A_28 = tpu.memref_slice %arg6[%dma_start3A_24, %dma_start3A_26, %dma_start3A_27] : memref<2x64x768xf32, #tpu.memory_space<vmem>> -> memref<1x64x768xf32, #tpu.memory_space<vmem>>
    %dma_start3A_29 = tpu.memref_squeeze %dma_start3A_28 : memref<1x64x768xf32, #tpu.memory_space<vmem>> -> memref<64x768xf32, #tpu.memory_space<vmem>>
    %dma_start3A_30 = arith.constant 0 : i32
    %dma_start3A_31 = tpu.memref_slice %arg2[%add3A_23, %dma_start3A_30] : memref<8192x768xf32, #tpu.memory_space<hbm>> -> memref<64x768xf32, #tpu.memory_space<hbm>>
    %dma_start3A_32 = tpu.memref_slice %arg7[%dma_start3A_25] : memref<3x!tpu.dma_semaphore, #tpu.memory_space<semaphore_mem>> -> memref<1x!tpu.dma_semaphore, #tpu.memory_space<semaphore_mem>>
    %dma_start3A_33 = tpu.memref_squeeze %dma_start3A_32 : memref<1x!tpu.dma_semaphore, #tpu.memory_space<semaphore_mem>> -> memref<!tpu.dma_semaphore, #tpu.memory_space<semaphore_mem>>
    %dma_start3A_34 = arith.constant 0 : i32
    %dma_start3A_35 = arith.constant 0 : i32
    %dma_start3A_36 = tpu.memref_slice %arg6[%dma_start3A_24, %dma_start3A_34, %dma_start3A_35] : memref<2x64x768xf32, #tpu.memory_space<vmem>> -> memref<1x64x768xf32, #tpu.memory_space<vmem>>
    %dma_start3A_37 = tpu.memref_squeeze %dma_start3A_36 : memref<1x64x768xf32, #tpu.memory_space<vmem>> -> memref<64x768xf32, #tpu.memory_space<vmem>>
    %dma_start3A_38 = arith.constant 0 : i32
    %dma_start3A_39 = tpu.memref_slice %arg2[%add3A_23, %dma_start3A_38] : memref<8192x768xf32, #tpu.memory_space<hbm>> -> memref<64x768xf32, #tpu.memory_space<hbm>>
    tpu.enqueue_dma source(%dma_start3A_39 : memref<64x768xf32, #tpu.memory_space<hbm>>) target(%dma_start3A_37 : memref<64x768xf32, #tpu.memory_space<vmem>>) target_semaphore(%dma_start3A_33 : memref<!tpu.dma_semaphore, #tpu.memory_space<semaphore_mem>>)
    %dma_wait3A = arith.constant 0 : i32
    %dma_wait3A_40 = arith.constant 0 : i32
    %dma_wait3A_41 = arith.constant 0 : i32
    %dma_wait3A_42 = arith.constant 0 : i32
    %dma_wait3A_43 = tpu.memref_slice %arg6[%dma_wait3A, %dma_wait3A_41, %dma_wait3A_42] : memref<2x64x768xf32, #tpu.memory_space<vmem>> -> memref<1x64x768xf32, #tpu.memory_space<vmem>>
    %dma_wait3A_44 = tpu.memref_squeeze %dma_wait3A_43 : memref<1x64x768xf32, #tpu.memory_space<vmem>> -> memref<64x768xf32, #tpu.memory_space<vmem>>
    %dma_wait3A_45 = arith.constant 0 : i32
    %dma_wait3A_46 = tpu.memref_slice %arg2[%add3A_4, %dma_wait3A_45] : memref<8192x768xf32, #tpu.memory_space<hbm>> -> memref<64x768xf32, #tpu.memory_space<hbm>>
    %dma_wait3A_47 = tpu.memref_slice %arg7[%dma_wait3A_40] : memref<3x!tpu.dma_semaphore, #tpu.memory_space<semaphore_mem>> -> memref<1x!tpu.dma_semaphore, #tpu.memory_space<semaphore_mem>>
    %dma_wait3A_48 = tpu.memref_squeeze %dma_wait3A_47 : memref<1x!tpu.dma_semaphore, #tpu.memory_space<semaphore_mem>> -> memref<!tpu.dma_semaphore, #tpu.memory_space<semaphore_mem>>
    %dma_wait3A_49 = arith.constant 0 : i32
    %dma_wait3A_50 = arith.constant 0 : i32
    %dma_wait3A_51 = tpu.memref_slice %arg6[%dma_wait3A, %dma_wait3A_49, %dma_wait3A_50] : memref<2x64x768xf32, #tpu.memory_space<vmem>> -> memref<1x64x768xf32, #tpu.memory_space<vmem>>
    %dma_wait3A_52 = tpu.memref_squeeze %dma_wait3A_51 : memref<1x64x768xf32, #tpu.memory_space<vmem>> -> memref<64x768xf32, #tpu.memory_space<vmem>>
    %dma_wait3A_53 = arith.constant 0 : i32
    %dma_wait3A_54 = tpu.memref_slice %arg2[%add3A_4, %dma_wait3A_53] : memref<8192x768xf32, #tpu.memory_space<hbm>> -> memref<64x768xf32, #tpu.memory_space<hbm>>
    tpu.wait_dma2 semaphore(%dma_wait3A_48 : memref<!tpu.dma_semaphore, #tpu.memory_space<semaphore_mem>>) src(%dma_wait3A_54 : memref<64x768xf32, #tpu.memory_space<hbm>>) dst(%dma_wait3A_52 : memref<64x768xf32, #tpu.memory_space<vmem>>)
    %dma_start3A_55 = arith.constant 0 : i32
    %dma_start3A_56 = arith.constant 0 : i32
    %dma_start3A_57 = arith.constant 2 : i32
    %dma_start3A_58 = arith.constant 0 : i32
    %dma_start3A_59 = arith.constant 0 : i32
    %dma_start3A_60 = tpu.memref_slice %arg6[%dma_start3A_55, %dma_start3A_58, %dma_start3A_59] : memref<2x64x768xf32, #tpu.memory_space<vmem>> -> memref<1x64x768xf32, #tpu.memory_space<vmem>>
    %dma_start3A_61 = tpu.memref_squeeze %dma_start3A_60 : memref<1x64x768xf32, #tpu.memory_space<vmem>> -> memref<64x768xf32, #tpu.memory_space<vmem>>
    %dma_start3A_62 = arith.constant 0 : i32
    %dma_start3A_63 = tpu.memref_slice %arg5[%dma_start3A_56, %dma_start3A_62] : memref<4x64xi32, #tpu.memory_space<vmem>> -> memref<1x64xi32, #tpu.memory_space<vmem>>
    %dma_start3A_64 = tpu.memref_squeeze %dma_start3A_63 : memref<1x64xi32, #tpu.memory_space<vmem>> -> memref<64xi32, #tpu.memory_space<vmem>>
    %dma_start3A_65 = arith.constant 0 : i32
    %dma_start3A_66 = arith.constant 0 : i32
    %dma_start3A_67 = tpu.memref_slice %arg4[%dma_start3A_65, %dma_start3A_66] : memref<10752x768xf32, #tpu.memory_space<hbm>> -> memref<10752x768xf32, #tpu.memory_space<hbm>>
    %dma_start3A_68 = tpu.memref_slice %arg7[%dma_start3A_57] : memref<3x!tpu.dma_semaphore, #tpu.memory_space<semaphore_mem>> -> memref<1x!tpu.dma_semaphore, #tpu.memory_space<semaphore_mem>>
    %dma_start3A_69 = tpu.memref_squeeze %dma_start3A_68 : memref<1x!tpu.dma_semaphore, #tpu.memory_space<semaphore_mem>> -> memref<!tpu.dma_semaphore, #tpu.memory_space<semaphore_mem>>
    tpu.enqueue_indirect_dma source(%dma_start3A_61 : memref<64x768xf32, #tpu.memory_space<vmem>>) target(%dma_start3A_67 : memref<10752x768xf32, #tpu.memory_space<hbm>>) offsets(%dma_start3A_64 : memref<64xi32, #tpu.memory_space<vmem>>) semaphore(%dma_start3A_69 : memref<!tpu.dma_semaphore, #tpu.memory_space<semaphore_mem>>)
    %dma_wait3A_70 = arith.constant 0 : i32
    %dma_wait3A_71 = arith.constant 0 : i32
    %dma_wait3A_72 = arith.constant 2 : i32
    %dma_wait3A_73 = arith.constant 0 : i32
    %dma_wait3A_74 = arith.constant 0 : i32
    %dma_wait3A_75 = tpu.memref_slice %arg6[%dma_wait3A_70, %dma_wait3A_73, %dma_wait3A_74] : memref<2x64x768xf32, #tpu.memory_space<vmem>> -> memref<1x64x768xf32, #tpu.memory_space<vmem>>
    %dma_wait3A_76 = tpu.memref_squeeze %dma_wait3A_75 : memref<1x64x768xf32, #tpu.memory_space<vmem>> -> memref<64x768xf32, #tpu.memory_space<vmem>>
    %dma_wait3A_77 = arith.constant 0 : i32
    %dma_wait3A_78 = tpu.memref_slice %arg5[%dma_wait3A_71, %dma_wait3A_77] : memref<4x64xi32, #tpu.memory_space<vmem>> -> memref<1x64xi32, #tpu.memory_space<vmem>>
    %dma_wait3A_79 = tpu.memref_squeeze %dma_wait3A_78 : memref<1x64xi32, #tpu.memory_space<vmem>> -> memref<64xi32, #tpu.memory_space<vmem>>
    %dma_wait3A_80 = arith.constant 0 : i32
    %dma_wait3A_81 = arith.constant 0 : i32
    %dma_wait3A_82 = tpu.memref_slice %arg4[%dma_wait3A_80, %dma_wait3A_81] : memref<10752x768xf32, #tpu.memory_space<hbm>> -> memref<10752x768xf32, #tpu.memory_space<hbm>>
    %dma_wait3A_83 = tpu.memref_slice %arg7[%dma_wait3A_72] : memref<3x!tpu.dma_semaphore, #tpu.memory_space<semaphore_mem>> -> memref<1x!tpu.dma_semaphore, #tpu.memory_space<semaphore_mem>>
    %dma_wait3A_84 = tpu.memref_squeeze %dma_wait3A_83 : memref<1x!tpu.dma_semaphore, #tpu.memory_space<semaphore_mem>> -> memref<!tpu.dma_semaphore, #tpu.memory_space<semaphore_mem>>
    tpu.wait_indirect_dma semaphore(%dma_wait3A_84 : memref<!tpu.dma_semaphore, #tpu.memory_space<semaphore_mem>>) src(%dma_wait3A_76 : memref<64x768xf32, #tpu.memory_space<vmem>>) dst(%dma_wait3A_82 : memref<10752x768xf32, #tpu.memory_space<hbm>>)
    %mul3A_85 = arith.constant 256 : i32
    %mul3A_86 = arith.muli %add3A, %mul3A_85 : i32
    %add3A_87 = arith.constant 128 : i32
    %add3A_88 = arith.addi %mul3A_86, %add3A_87 : i32
    %dma_start3A_89 = arith.constant 0 : i32
    %dma_start3A_90 = arith.constant 0 : i32
    %dma_start3A_91 = arith.constant 0 : i32
    %dma_start3A_92 = arith.constant 0 : i32
    %dma_start3A_93 = tpu.memref_slice %arg6[%dma_start3A_89, %dma_start3A_91, %dma_start3A_92] : memref<2x64x768xf32, #tpu.memory_space<vmem>> -> memref<1x64x768xf32, #tpu.memory_space<vmem>>
    %dma_start3A_94 = tpu.memref_squeeze %dma_start3A_93 : memref<1x64x768xf32, #tpu.memory_space<vmem>> -> memref<64x768xf32, #tpu.memory_space<vmem>>
    %dma_start3A_95 = arith.constant 0 : i32
    %dma_start3A_96 = tpu.memref_slice %arg2[%add3A_88, %dma_start3A_95] : memref<8192x768xf32, #tpu.memory_space<hbm>> -> memref<64x768xf32, #tpu.memory_space<hbm>>
    %dma_start3A_97 = tpu.memref_slice %arg7[%dma_start3A_90] : memref<3x!tpu.dma_semaphore, #tpu.memory_space<semaphore_mem>> -> memref<1x!tpu.dma_semaphore, #tpu.memory_space<semaphore_mem>>
    %dma_start3A_98 = tpu.memref_squeeze %dma_start3A_97 : memref<1x!tpu.dma_semaphore, #tpu.memory_space<semaphore_mem>> -> memref<!tpu.dma_semaphore, #tpu.memory_space<semaphore_mem>>
    %dma_start3A_99 = arith.constant 0 : i32
    %dma_start3A_100 = arith.constant 0 : i32
    %dma_start3A_101 = tpu.memref_slice %arg6[%dma_start3A_89, %dma_start3A_99, %dma_start3A_100] : memref<2x64x768xf32, #tpu.memory_space<vmem>> -> memref<1x64x768xf32, #tpu.memory_space<vmem>>
    %dma_start3A_102 = tpu.memref_squeeze %dma_start3A_101 : memref<1x64x768xf32, #tpu.memory_space<vmem>> -> memref<64x768xf32, #tpu.memory_space<vmem>>
    %dma_start3A_103 = arith.constant 0 : i32
    %dma_start3A_104 = tpu.memref_slice %arg2[%add3A_88, %dma_start3A_103] : memref<8192x768xf32, #tpu.memory_space<hbm>> -> memref<64x768xf32, #tpu.memory_space<hbm>>
    tpu.enqueue_dma source(%dma_start3A_104 : memref<64x768xf32, #tpu.memory_space<hbm>>) target(%dma_start3A_102 : memref<64x768xf32, #tpu.memory_space<vmem>>) target_semaphore(%dma_start3A_98 : memref<!tpu.dma_semaphore, #tpu.memory_space<semaphore_mem>>)
    %dma_wait3A_105 = arith.constant 1 : i32
    %dma_wait3A_106 = arith.constant 1 : i32
    %dma_wait3A_107 = arith.constant 0 : i32
    %dma_wait3A_108 = arith.constant 0 : i32
    %dma_wait3A_109 = tpu.memref_slice %arg6[%dma_wait3A_105, %dma_wait3A_107, %dma_wait3A_108] : memref<2x64x768xf32, #tpu.memory_space<vmem>> -> memref<1x64x768xf32, #tpu.memory_space<vmem>>
    %dma_wait3A_110 = tpu.memref_squeeze %dma_wait3A_109 : memref<1x64x768xf32, #tpu.memory_space<vmem>> -> memref<64x768xf32, #tpu.memory_space<vmem>>
    %dma_wait3A_111 = arith.constant 0 : i32
    %dma_wait3A_112 = tpu.memref_slice %arg2[%add3A_23, %dma_wait3A_111] : memref<8192x768xf32, #tpu.memory_space<hbm>> -> memref<64x768xf32, #tpu.memory_space<hbm>>
    %dma_wait3A_113 = tpu.memref_slice %arg7[%dma_wait3A_106] : memref<3x!tpu.dma_semaphore, #tpu.memory_space<semaphore_mem>> -> memref<1x!tpu.dma_semaphore, #tpu.memory_space<semaphore_mem>>
    %dma_wait3A_114 = tpu.memref_squeeze %dma_wait3A_113 : memref<1x!tpu.dma_semaphore, #tpu.memory_space<semaphore_mem>> -> memref<!tpu.dma_semaphore, #tpu.memory_space<semaphore_mem>>
    %dma_wait3A_115 = arith.constant 0 : i32
    %dma_wait3A_116 = arith.constant 0 : i32
    %dma_wait3A_117 = tpu.memref_slice %arg6[%dma_wait3A_105, %dma_wait3A_115, %dma_wait3A_116] : memref<2x64x768xf32, #tpu.memory_space<vmem>> -> memref<1x64x768xf32, #tpu.memory_space<vmem>>
    %dma_wait3A_118 = tpu.memref_squeeze %dma_wait3A_117 : memref<1x64x768xf32, #tpu.memory_space<vmem>> -> memref<64x768xf32, #tpu.memory_space<vmem>>
    %dma_wait3A_119 = arith.constant 0 : i32
    %dma_wait3A_120 = tpu.memref_slice %arg2[%add3A_23, %dma_wait3A_119] : memref<8192x768xf32, #tpu.memory_space<hbm>> -> memref<64x768xf32, #tpu.memory_space<hbm>>
    tpu.wait_dma2 semaphore(%dma_wait3A_114 : memref<!tpu.dma_semaphore, #tpu.memory_space<semaphore_mem>>) src(%dma_wait3A_120 : memref<64x768xf32, #tpu.memory_space<hbm>>) dst(%dma_wait3A_118 : memref<64x768xf32, #tpu.memory_space<vmem>>)
    %dma_start3A_121 = arith.constant 1 : i32
    %dma_start3A_122 = arith.constant 1 : i32
    %dma_start3A_123 = arith.constant 2 : i32
    %dma_start3A_124 = arith.constant 0 : i32
    %dma_start3A_125 = arith.constant 0 : i32
    %dma_start3A_126 = tpu.memref_slice %arg6[%dma_start3A_121, %dma_start3A_124, %dma_start3A_125] : memref<2x64x768xf32, #tpu.memory_space<vmem>> -> memref<1x64x768xf32, #tpu.memory_space<vmem>>
    %dma_start3A_127 = tpu.memref_squeeze %dma_start3A_126 : memref<1x64x768xf32, #tpu.memory_space<vmem>> -> memref<64x768xf32, #tpu.memory_space<vmem>>
    %dma_start3A_128 = arith.constant 0 : i32
    %dma_start3A_129 = tpu.memref_slice %arg5[%dma_start3A_122, %dma_start3A_128] : memref<4x64xi32, #tpu.memory_space<vmem>> -> memref<1x64xi32, #tpu.memory_space<vmem>>
    %dma_start3A_130 = tpu.memref_squeeze %dma_start3A_129 : memref<1x64xi32, #tpu.memory_space<vmem>> -> memref<64xi32, #tpu.memory_space<vmem>>
    %dma_start3A_131 = arith.constant 0 : i32
    %dma_start3A_132 = arith.constant 0 : i32
    %dma_start3A_133 = tpu.memref_slice %arg4[%dma_start3A_131, %dma_start3A_132] : memref<10752x768xf32, #tpu.memory_space<hbm>> -> memref<10752x768xf32, #tpu.memory_space<hbm>>
    %dma_start3A_134 = tpu.memref_slice %arg7[%dma_start3A_123] : memref<3x!tpu.dma_semaphore, #tpu.memory_space<semaphore_mem>> -> memref<1x!tpu.dma_semaphore, #tpu.memory_space<semaphore_mem>>
    %dma_start3A_135 = tpu.memref_squeeze %dma_start3A_134 : memref<1x!tpu.dma_semaphore, #tpu.memory_space<semaphore_mem>> -> memref<!tpu.dma_semaphore, #tpu.memory_space<semaphore_mem>>
    tpu.enqueue_indirect_dma source(%dma_start3A_127 : memref<64x768xf32, #tpu.memory_space<vmem>>) target(%dma_start3A_133 : memref<10752x768xf32, #tpu.memory_space<hbm>>) offsets(%dma_start3A_130 : memref<64xi32, #tpu.memory_space<vmem>>) semaphore(%dma_start3A_135 : memref<!tpu.dma_semaphore, #tpu.memory_space<semaphore_mem>>)
    %dma_wait3A_136 = arith.constant 1 : i32
    %dma_wait3A_137 = arith.constant 1 : i32
    %dma_wait3A_138 = arith.constant 2 : i32
    %dma_wait3A_139 = arith.constant 0 : i32
    %dma_wait3A_140 = arith.constant 0 : i32
    %dma_wait3A_141 = tpu.memref_slice %arg6[%dma_wait3A_136, %dma_wait3A_139, %dma_wait3A_140] : memref<2x64x768xf32, #tpu.memory_space<vmem>> -> memref<1x64x768xf32, #tpu.memory_space<vmem>>
    %dma_wait3A_142 = tpu.memref_squeeze %dma_wait3A_141 : memref<1x64x768xf32, #tpu.memory_space<vmem>> -> memref<64x768xf32, #tpu.memory_space<vmem>>
    %dma_wait3A_143 = arith.constant 0 : i32
    %dma_wait3A_144 = tpu.memref_slice %arg5[%dma_wait3A_137, %dma_wait3A_143] : memref<4x64xi32, #tpu.memory_space<vmem>> -> memref<1x64xi32, #tpu.memory_space<vmem>>
    %dma_wait3A_145 = tpu.memref_squeeze %dma_wait3A_144 : memref<1x64xi32, #tpu.memory_space<vmem>> -> memref<64xi32, #tpu.memory_space<vmem>>
    %dma_wait3A_146 = arith.constant 0 : i32
    %dma_wait3A_147 = arith.constant 0 : i32
    %dma_wait3A_148 = tpu.memref_slice %arg4[%dma_wait3A_146, %dma_wait3A_147] : memref<10752x768xf32, #tpu.memory_space<hbm>> -> memref<10752x768xf32, #tpu.memory_space<hbm>>
    %dma_wait3A_149 = tpu.memref_slice %arg7[%dma_wait3A_138] : memref<3x!tpu.dma_semaphore, #tpu.memory_space<semaphore_mem>> -> memref<1x!tpu.dma_semaphore, #tpu.memory_space<semaphore_mem>>
    %dma_wait3A_150 = tpu.memref_squeeze %dma_wait3A_149 : memref<1x!tpu.dma_semaphore, #tpu.memory_space<semaphore_mem>> -> memref<!tpu.dma_semaphore, #tpu.memory_space<semaphore_mem>>
    tpu.wait_indirect_dma semaphore(%dma_wait3A_150 : memref<!tpu.dma_semaphore, #tpu.memory_space<semaphore_mem>>) src(%dma_wait3A_142 : memref<64x768xf32, #tpu.memory_space<vmem>>) dst(%dma_wait3A_148 : memref<10752x768xf32, #tpu.memory_space<hbm>>)
    %mul3A_151 = arith.constant 256 : i32
    %mul3A_152 = arith.muli %add3A, %mul3A_151 : i32
    %add3A_153 = arith.constant 192 : i32
    %add3A_154 = arith.addi %mul3A_152, %add3A_153 : i32
    %dma_start3A_155 = arith.constant 1 : i32
    %dma_start3A_156 = arith.constant 1 : i32
    %dma_start3A_157 = arith.constant 0 : i32
    %dma_start3A_158 = arith.constant 0 : i32
    %dma_start3A_159 = tpu.memref_slice %arg6[%dma_start3A_155, %dma_start3A_157, %dma_start3A_158] : memref<2x64x768xf32, #tpu.memory_space<vmem>> -> memref<1x64x768xf32, #tpu.memory_space<vmem>>
    %dma_start3A_160 = tpu.memref_squeeze %dma_start3A_159 : memref<1x64x768xf32, #tpu.memory_space<vmem>> -> memref<64x768xf32, #tpu.memory_space<vmem>>
    %dma_start3A_161 = arith.constant 0 : i32
    %dma_start3A_162 = tpu.memref_slice %arg2[%add3A_154, %dma_start3A_161] : memref<8192x768xf32, #tpu.memory_space<hbm>> -> memref<64x768xf32, #tpu.memory_space<hbm>>
    %dma_start3A_163 = tpu.memref_slice %arg7[%dma_start3A_156] : memref<3x!tpu.dma_semaphore, #tpu.memory_space<semaphore_mem>> -> memref<1x!tpu.dma_semaphore, #tpu.memory_space<semaphore_mem>>
    %dma_start3A_164 = tpu.memref_squeeze %dma_start3A_163 : memref<1x!tpu.dma_semaphore, #tpu.memory_space<semaphore_mem>> -> memref<!tpu.dma_semaphore, #tpu.memory_space<semaphore_mem>>
    %dma_start3A_165 = arith.constant 0 : i32
    %dma_start3A_166 = arith.constant 0 : i32
    %dma_start3A_167 = tpu.memref_slice %arg6[%dma_start3A_155, %dma_start3A_165, %dma_start3A_166] : memref<2x64x768xf32, #tpu.memory_space<vmem>> -> memref<1x64x768xf32, #tpu.memory_space<vmem>>
    %dma_start3A_168 = tpu.memref_squeeze %dma_start3A_167 : memref<1x64x768xf32, #tpu.memory_space<vmem>> -> memref<64x768xf32, #tpu.memory_space<vmem>>
    %dma_start3A_169 = arith.constant 0 : i32
    %dma_start3A_170 = tpu.memref_slice %arg2[%add3A_154, %dma_start3A_169] : memref<8192x768xf32, #tpu.memory_space<hbm>> -> memref<64x768xf32, #tpu.memory_space<hbm>>
    tpu.enqueue_dma source(%dma_start3A_170 : memref<64x768xf32, #tpu.memory_space<hbm>>) target(%dma_start3A_168 : memref<64x768xf32, #tpu.memory_space<vmem>>) target_semaphore(%dma_start3A_164 : memref<!tpu.dma_semaphore, #tpu.memory_space<semaphore_mem>>)
    %dma_wait3A_171 = arith.constant 0 : i32
    %dma_wait3A_172 = arith.constant 0 : i32
    %dma_wait3A_173 = arith.constant 0 : i32
    %dma_wait3A_174 = arith.constant 0 : i32
    %dma_wait3A_175 = tpu.memref_slice %arg6[%dma_wait3A_171, %dma_wait3A_173, %dma_wait3A_174] : memref<2x64x768xf32, #tpu.memory_space<vmem>> -> memref<1x64x768xf32, #tpu.memory_space<vmem>>
    %dma_wait3A_176 = tpu.memref_squeeze %dma_wait3A_175 : memref<1x64x768xf32, #tpu.memory_space<vmem>> -> memref<64x768xf32, #tpu.memory_space<vmem>>
    %dma_wait3A_177 = arith.constant 0 : i32
    %dma_wait3A_178 = tpu.memref_slice %arg2[%add3A_88, %dma_wait3A_177] : memref<8192x768xf32, #tpu.memory_space<hbm>> -> memref<64x768xf32, #tpu.memory_space<hbm>>
    %dma_wait3A_179 = tpu.memref_slice %arg7[%dma_wait3A_172] : memref<3x!tpu.dma_semaphore, #tpu.memory_space<semaphore_mem>> -> memref<1x!tpu.dma_semaphore, #tpu.memory_space<semaphore_mem>>
    %dma_wait3A_180 = tpu.memref_squeeze %dma_wait3A_179 : memref<1x!tpu.dma_semaphore, #tpu.memory_space<semaphore_mem>> -> memref<!tpu.dma_semaphore, #tpu.memory_space<semaphore_mem>>
    %dma_wait3A_181 = arith.constant 0 : i32
    %dma_wait3A_182 = arith.constant 0 : i32
    %dma_wait3A_183 = tpu.memref_slice %arg6[%dma_wait3A_171, %dma_wait3A_181, %dma_wait3A_182] : memref<2x64x768xf32, #tpu.memory_space<vmem>> -> memref<1x64x768xf32, #tpu.memory_space<vmem>>
    %dma_wait3A_184 = tpu.memref_squeeze %dma_wait3A_183 : memref<1x64x768xf32, #tpu.memory_space<vmem>> -> memref<64x768xf32, #tpu.memory_space<vmem>>
    %dma_wait3A_185 = arith.constant 0 : i32
    %dma_wait3A_186 = tpu.memref_slice %arg2[%add3A_88, %dma_wait3A_185] : memref<8192x768xf32, #tpu.memory_space<hbm>> -> memref<64x768xf32, #tpu.memory_space<hbm>>
    tpu.wait_dma2 semaphore(%dma_wait3A_180 : memref<!tpu.dma_semaphore, #tpu.memory_space<semaphore_mem>>) src(%dma_wait3A_186 : memref<64x768xf32, #tpu.memory_space<hbm>>) dst(%dma_wait3A_184 : memref<64x768xf32, #tpu.memory_space<vmem>>)
    %dma_start3A_187 = arith.constant 0 : i32
    %dma_start3A_188 = arith.constant 2 : i32
    %dma_start3A_189 = arith.constant 2 : i32
    %dma_start3A_190 = arith.constant 0 : i32
    %dma_start3A_191 = arith.constant 0 : i32
    %dma_start3A_192 = tpu.memref_slice %arg6[%dma_start3A_187, %dma_start3A_190, %dma_start3A_191] : memref<2x64x768xf32, #tpu.memory_space<vmem>> -> memref<1x64x768xf32, #tpu.memory_space<vmem>>
    %dma_start3A_193 = tpu.memref_squeeze %dma_start3A_192 : memref<1x64x768xf32, #tpu.memory_space<vmem>> -> memref<64x768xf32, #tpu.memory_space<vmem>>
    %dma_start3A_194 = arith.constant 0 : i32
    %dma_start3A_195 = tpu.memref_slice %arg5[%dma_start3A_188, %dma_start3A_194] : memref<4x64xi32, #tpu.memory_space<vmem>> -> memref<1x64xi32, #tpu.memory_space<vmem>>
    %dma_start3A_196 = tpu.memref_squeeze %dma_start3A_195 : memref<1x64xi32, #tpu.memory_space<vmem>> -> memref<64xi32, #tpu.memory_space<vmem>>
    %dma_start3A_197 = arith.constant 0 : i32
    %dma_start3A_198 = arith.constant 0 : i32
    %dma_start3A_199 = tpu.memref_slice %arg4[%dma_start3A_197, %dma_start3A_198] : memref<10752x768xf32, #tpu.memory_space<hbm>> -> memref<10752x768xf32, #tpu.memory_space<hbm>>
    %dma_start3A_200 = tpu.memref_slice %arg7[%dma_start3A_189] : memref<3x!tpu.dma_semaphore, #tpu.memory_space<semaphore_mem>> -> memref<1x!tpu.dma_semaphore, #tpu.memory_space<semaphore_mem>>
    %dma_start3A_201 = tpu.memref_squeeze %dma_start3A_200 : memref<1x!tpu.dma_semaphore, #tpu.memory_space<semaphore_mem>> -> memref<!tpu.dma_semaphore, #tpu.memory_space<semaphore_mem>>
    tpu.enqueue_indirect_dma source(%dma_start3A_193 : memref<64x768xf32, #tpu.memory_space<vmem>>) target(%dma_start3A_199 : memref<10752x768xf32, #tpu.memory_space<hbm>>) offsets(%dma_start3A_196 : memref<64xi32, #tpu.memory_space<vmem>>) semaphore(%dma_start3A_201 : memref<!tpu.dma_semaphore, #tpu.memory_space<semaphore_mem>>)
    %dma_wait3A_202 = arith.constant 0 : i32
    %dma_wait3A_203 = arith.constant 2 : i32
    %dma_wait3A_204 = arith.constant 2 : i32
    %dma_wait3A_205 = arith.constant 0 : i32
    %dma_wait3A_206 = arith.constant 0 : i32
    %dma_wait3A_207 = tpu.memref_slice %arg6[%dma_wait3A_202, %dma_wait3A_205, %dma_wait3A_206] : memref<2x64x768xf32, #tpu.memory_space<vmem>> -> memref<1x64x768xf32, #tpu.memory_space<vmem>>
    %dma_wait3A_208 = tpu.memref_squeeze %dma_wait3A_207 : memref<1x64x768xf32, #tpu.memory_space<vmem>> -> memref<64x768xf32, #tpu.memory_space<vmem>>
    %dma_wait3A_209 = arith.constant 0 : i32
    %dma_wait3A_210 = tpu.memref_slice %arg5[%dma_wait3A_203, %dma_wait3A_209] : memref<4x64xi32, #tpu.memory_space<vmem>> -> memref<1x64xi32, #tpu.memory_space<vmem>>
    %dma_wait3A_211 = tpu.memref_squeeze %dma_wait3A_210 : memref<1x64xi32, #tpu.memory_space<vmem>> -> memref<64xi32, #tpu.memory_space<vmem>>
    %dma_wait3A_212 = arith.constant 0 : i32
    %dma_wait3A_213 = arith.constant 0 : i32
    %dma_wait3A_214 = tpu.memref_slice %arg4[%dma_wait3A_212, %dma_wait3A_213] : memref<10752x768xf32, #tpu.memory_space<hbm>> -> memref<10752x768xf32, #tpu.memory_space<hbm>>
    %dma_wait3A_215 = tpu.memref_slice %arg7[%dma_wait3A_204] : memref<3x!tpu.dma_semaphore, #tpu.memory_space<semaphore_mem>> -> memref<1x!tpu.dma_semaphore, #tpu.memory_space<semaphore_mem>>
    %dma_wait3A_216 = tpu.memref_squeeze %dma_wait3A_215 : memref<1x!tpu.dma_semaphore, #tpu.memory_space<semaphore_mem>> -> memref<!tpu.dma_semaphore, #tpu.memory_space<semaphore_mem>>
    tpu.wait_indirect_dma semaphore(%dma_wait3A_216 : memref<!tpu.dma_semaphore, #tpu.memory_space<semaphore_mem>>) src(%dma_wait3A_208 : memref<64x768xf32, #tpu.memory_space<vmem>>) dst(%dma_wait3A_214 : memref<10752x768xf32, #tpu.memory_space<hbm>>)
    %dma_wait3A_217 = arith.constant 1 : i32
    %dma_wait3A_218 = arith.constant 1 : i32
    %dma_wait3A_219 = arith.constant 0 : i32
    %dma_wait3A_220 = arith.constant 0 : i32
    %dma_wait3A_221 = tpu.memref_slice %arg6[%dma_wait3A_217, %dma_wait3A_219, %dma_wait3A_220] : memref<2x64x768xf32, #tpu.memory_space<vmem>> -> memref<1x64x768xf32, #tpu.memory_space<vmem>>
    %dma_wait3A_222 = tpu.memref_squeeze %dma_wait3A_221 : memref<1x64x768xf32, #tpu.memory_space<vmem>> -> memref<64x768xf32, #tpu.memory_space<vmem>>
    %dma_wait3A_223 = arith.constant 0 : i32
    %dma_wait3A_224 = tpu.memref_slice %arg2[%add3A_154, %dma_wait3A_223] : memref<8192x768xf32, #tpu.memory_space<hbm>> -> memref<64x768xf32, #tpu.memory_space<hbm>>
    %dma_wait3A_225 = tpu.memref_slice %arg7[%dma_wait3A_218] : memref<3x!tpu.dma_semaphore, #tpu.memory_space<semaphore_mem>> -> memref<1x!tpu.dma_semaphore, #tpu.memory_space<semaphore_mem>>
    %dma_wait3A_226 = tpu.memref_squeeze %dma_wait3A_225 : memref<1x!tpu.dma_semaphore, #tpu.memory_space<semaphore_mem>> -> memref<!tpu.dma_semaphore, #tpu.memory_space<semaphore_mem>>
    %dma_wait3A_227 = arith.constant 0 : i32
    %dma_wait3A_228 = arith.constant 0 : i32
    %dma_wait3A_229 = tpu.memref_slice %arg6[%dma_wait3A_217, %dma_wait3A_227, %dma_wait3A_228] : memref<2x64x768xf32, #tpu.memory_space<vmem>> -> memref<1x64x768xf32, #tpu.memory_space<vmem>>
    %dma_wait3A_230 = tpu.memref_squeeze %dma_wait3A_229 : memref<1x64x768xf32, #tpu.memory_space<vmem>> -> memref<64x768xf32, #tpu.memory_space<vmem>>
    %dma_wait3A_231 = arith.constant 0 : i32
    %dma_wait3A_232 = tpu.memref_slice %arg2[%add3A_154, %dma_wait3A_231] : memref<8192x768xf32, #tpu.memory_space<hbm>> -> memref<64x768xf32, #tpu.memory_space<hbm>>
    tpu.wait_dma2 semaphore(%dma_wait3A_226 : memref<!tpu.dma_semaphore, #tpu.memory_space<semaphore_mem>>) src(%dma_wait3A_232 : memref<64x768xf32, #tpu.memory_space<hbm>>) dst(%dma_wait3A_230 : memref<64x768xf32, #tpu.memory_space<vmem>>)
    %dma_start3A_233 = arith.constant 1 : i32
    %dma_start3A_234 = arith.constant 3 : i32
    %dma_start3A_235 = arith.constant 2 : i32
    %dma_start3A_236 = arith.constant 0 : i32
    %dma_start3A_237 = arith.constant 0 : i32
    %dma_start3A_238 = tpu.memref_slice %arg6[%dma_start3A_233, %dma_start3A_236, %dma_start3A_237] : memref<2x64x768xf32, #tpu.memory_space<vmem>> -> memref<1x64x768xf32, #tpu.memory_space<vmem>>
    %dma_start3A_239 = tpu.memref_squeeze %dma_start3A_238 : memref<1x64x768xf32, #tpu.memory_space<vmem>> -> memref<64x768xf32, #tpu.memory_space<vmem>>
    %dma_start3A_240 = arith.constant 0 : i32
    %dma_start3A_241 = tpu.memref_slice %arg5[%dma_start3A_234, %dma_start3A_240] : memref<4x64xi32, #tpu.memory_space<vmem>> -> memref<1x64xi32, #tpu.memory_space<vmem>>
    %dma_start3A_242 = tpu.memref_squeeze %dma_start3A_241 : memref<1x64xi32, #tpu.memory_space<vmem>> -> memref<64xi32, #tpu.memory_space<vmem>>
    %dma_start3A_243 = arith.constant 0 : i32
    %dma_start3A_244 = arith.constant 0 : i32
    %dma_start3A_245 = tpu.memref_slice %arg4[%dma_start3A_243, %dma_start3A_244] : memref<10752x768xf32, #tpu.memory_space<hbm>> -> memref<10752x768xf32, #tpu.memory_space<hbm>>
    %dma_start3A_246 = tpu.memref_slice %arg7[%dma_start3A_235] : memref<3x!tpu.dma_semaphore, #tpu.memory_space<semaphore_mem>> -> memref<1x!tpu.dma_semaphore, #tpu.memory_space<semaphore_mem>>
    %dma_start3A_247 = tpu.memref_squeeze %dma_start3A_246 : memref<1x!tpu.dma_semaphore, #tpu.memory_space<semaphore_mem>> -> memref<!tpu.dma_semaphore, #tpu.memory_space<semaphore_mem>>
    tpu.enqueue_indirect_dma source(%dma_start3A_239 : memref<64x768xf32, #tpu.memory_space<vmem>>) target(%dma_start3A_245 : memref<10752x768xf32, #tpu.memory_space<hbm>>) offsets(%dma_start3A_242 : memref<64xi32, #tpu.memory_space<vmem>>) semaphore(%dma_start3A_247 : memref<!tpu.dma_semaphore, #tpu.memory_space<semaphore_mem>>)
    %dma_wait3A_248 = arith.constant 1 : i32
    %dma_wait3A_249 = arith.constant 3 : i32
    %dma_wait3A_250 = arith.constant 2 : i32
    %dma_wait3A_251 = arith.constant 0 : i32
    %dma_wait3A_252 = arith.constant 0 : i32
    %dma_wait3A_253 = tpu.memref_slice %arg6[%dma_wait3A_248, %dma_wait3A_251, %dma_wait3A_252] : memref<2x64x768xf32, #tpu.memory_space<vmem>> -> memref<1x64x768xf32, #tpu.memory_space<vmem>>
    %dma_wait3A_254 = tpu.memref_squeeze %dma_wait3A_253 : memref<1x64x768xf32, #tpu.memory_space<vmem>> -> memref<64x768xf32, #tpu.memory_space<vmem>>
    %dma_wait3A_255 = arith.constant 0 : i32
    %dma_wait3A_256 = tpu.memref_slice %arg5[%dma_wait3A_249, %dma_wait3A_255] : memref<4x64xi32, #tpu.memory_space<vmem>> -> memref<1x64xi32, #tpu.memory_space<vmem>>
    %dma_wait3A_257 = tpu.memref_squeeze %dma_wait3A_256 : memref<1x64xi32, #tpu.memory_space<vmem>> -> memref<64xi32, #tpu.memory_space<vmem>>
    %dma_wait3A_258 = arith.constant 0 : i32
    %dma_wait3A_259 = arith.constant 0 : i32
    %dma_wait3A_260 = tpu.memref_slice %arg4[%dma_wait3A_258, %dma_wait3A_259] : memref<10752x768xf32, #tpu.memory_space<hbm>> -> memref<10752x768xf32, #tpu.memory_space<hbm>>
    %dma_wait3A_261 = tpu.memref_slice %arg7[%dma_wait3A_250] : memref<3x!tpu.dma_semaphore, #tpu.memory_space<semaphore_mem>> -> memref<1x!tpu.dma_semaphore, #tpu.memory_space<semaphore_mem>>
    %dma_wait3A_262 = tpu.memref_squeeze %dma_wait3A_261 : memref<1x!tpu.dma_semaphore, #tpu.memory_space<semaphore_mem>> -> memref<!tpu.dma_semaphore, #tpu.memory_space<semaphore_mem>>
    tpu.wait_indirect_dma semaphore(%dma_wait3A_262 : memref<!tpu.dma_semaphore, #tpu.memory_space<semaphore_mem>>) src(%dma_wait3A_254 : memref<64x768xf32, #tpu.memory_space<vmem>>) dst(%dma_wait3A_260 : memref<10752x768xf32, #tpu.memory_space<hbm>>)
    return
  }
}

#map = affine_map<(d0, d1) -> (0, 0)>
#map1 = affine_map<(d0, d1) -> (0, 0, 0)>
module attributes {stable_mosaic.version = 14 : i64} {
  func.func @_combine_body(%arg0: i32, %arg1: i32, %arg2: memref<10752x768xf32, #tpu.memory_space<hbm>>, %arg3: memref<32x4x64xi32, #tpu.memory_space<hbm>>, %arg4: memref<8192x768xf32, #tpu.memory_space<hbm>>, %arg5: memref<4x64xi32, #tpu.memory_space<vmem>>, %arg6: memref<2x64x768xf32, #tpu.memory_space<vmem>>, %arg7: memref<3x!tpu.dma_semaphore, #tpu.memory_space<semaphore_mem>>) attributes {dimension_semantics = [#tpu.dimension_semantics<core_parallel>, #tpu.dimension_semantics<subcore_parallel>], iteration_bounds = array<i64: 2, 16>, scalar_prefetch = 0 : i64, scratch_operands = 3 : i64, tpu.core_type = #tpu.core_type<sc_vector_subcore>, window_params = [{transform_indices = #map}, {transform_indices = #map1}, {transform_indices = #map}]} {
    %mul3A = arith.constant 2 : i32
    %mul3A_0 = arith.muli %arg1, %mul3A : i32
    %add3A = arith.addi %mul3A_0, %arg0 : i32
    "tpu.region"() ({
      %run_scoped3A = tpu.sem_alloc : memref<!tpu.dma_semaphore, #tpu.memory_space<semaphore_mem>>
      %dma_start3A_263 = arith.constant 0 : i32
      %dma_start3A_264 = arith.constant 0 : i32
      %dma_start3A_265 = tpu.memref_slice %arg3[%add3A, %dma_start3A_263, %dma_start3A_264] : memref<32x4x64xi32, #tpu.memory_space<hbm>> -> memref<1x4x64xi32, #tpu.memory_space<hbm>>
      %dma_start3A_266 = tpu.memref_squeeze %dma_start3A_265 : memref<1x4x64xi32, #tpu.memory_space<hbm>> -> memref<4x64xi32, #tpu.memory_space<hbm>>
      %dma_start3A_267 = arith.constant 0 : i32
      %dma_start3A_268 = arith.constant 0 : i32
      %dma_start3A_269 = tpu.memref_slice %arg3[%add3A, %dma_start3A_267, %dma_start3A_268] : memref<32x4x64xi32, #tpu.memory_space<hbm>> -> memref<1x4x64xi32, #tpu.memory_space<hbm>>
      %dma_start3A_270 = tpu.memref_squeeze %dma_start3A_269 : memref<1x4x64xi32, #tpu.memory_space<hbm>> -> memref<4x64xi32, #tpu.memory_space<hbm>>
      tpu.enqueue_dma source(%dma_start3A_270 : memref<4x64xi32, #tpu.memory_space<hbm>>) target(%arg5 : memref<4x64xi32, #tpu.memory_space<vmem>>) target_semaphore(%run_scoped3A : memref<!tpu.dma_semaphore, #tpu.memory_space<semaphore_mem>>)
      %dma_wait3A_271 = arith.constant 0 : i32
      %dma_wait3A_272 = arith.constant 0 : i32
      %dma_wait3A_273 = tpu.memref_slice %arg3[%add3A, %dma_wait3A_271, %dma_wait3A_272] : memref<32x4x64xi32, #tpu.memory_space<hbm>> -> memref<1x4x64xi32, #tpu.memory_space<hbm>>
      %dma_wait3A_274 = tpu.memref_squeeze %dma_wait3A_273 : memref<1x4x64xi32, #tpu.memory_space<hbm>> -> memref<4x64xi32, #tpu.memory_space<hbm>>
      %dma_wait3A_275 = arith.constant 0 : i32
      %dma_wait3A_276 = arith.constant 0 : i32
      %dma_wait3A_277 = tpu.memref_slice %arg3[%add3A, %dma_wait3A_275, %dma_wait3A_276] : memref<32x4x64xi32, #tpu.memory_space<hbm>> -> memref<1x4x64xi32, #tpu.memory_space<hbm>>
      %dma_wait3A_278 = tpu.memref_squeeze %dma_wait3A_277 : memref<1x4x64xi32, #tpu.memory_space<hbm>> -> memref<4x64xi32, #tpu.memory_space<hbm>>
      tpu.wait_dma2 semaphore(%run_scoped3A : memref<!tpu.dma_semaphore, #tpu.memory_space<semaphore_mem>>) src(%dma_wait3A_278 : memref<4x64xi32, #tpu.memory_space<hbm>>) dst(%arg5 : memref<4x64xi32, #tpu.memory_space<vmem>>)
      tpu.yield
    }) : () -> ()
    %dma_start3A = arith.constant 0 : i32
    %dma_start3A_1 = arith.constant 0 : i32
    %dma_start3A_2 = arith.constant 0 : i32
    %dma_start3A_3 = arith.constant 0 : i32
    %dma_start3A_4 = arith.constant 0 : i32
    %dma_start3A_5 = tpu.memref_slice %arg6[%dma_start3A_1, %dma_start3A_3, %dma_start3A_4] : memref<2x64x768xf32, #tpu.memory_space<vmem>> -> memref<1x64x768xf32, #tpu.memory_space<vmem>>
    %dma_start3A_6 = tpu.memref_squeeze %dma_start3A_5 : memref<1x64x768xf32, #tpu.memory_space<vmem>> -> memref<64x768xf32, #tpu.memory_space<vmem>>
    %dma_start3A_7 = arith.constant 0 : i32
    %dma_start3A_8 = tpu.memref_slice %arg5[%dma_start3A, %dma_start3A_7] : memref<4x64xi32, #tpu.memory_space<vmem>> -> memref<1x64xi32, #tpu.memory_space<vmem>>
    %dma_start3A_9 = tpu.memref_squeeze %dma_start3A_8 : memref<1x64xi32, #tpu.memory_space<vmem>> -> memref<64xi32, #tpu.memory_space<vmem>>
    %dma_start3A_10 = arith.constant 0 : i32
    %dma_start3A_11 = arith.constant 0 : i32
    %dma_start3A_12 = tpu.memref_slice %arg2[%dma_start3A_10, %dma_start3A_11] : memref<10752x768xf32, #tpu.memory_space<hbm>> -> memref<10752x768xf32, #tpu.memory_space<hbm>>
    %dma_start3A_13 = tpu.memref_slice %arg7[%dma_start3A_2] : memref<3x!tpu.dma_semaphore, #tpu.memory_space<semaphore_mem>> -> memref<1x!tpu.dma_semaphore, #tpu.memory_space<semaphore_mem>>
    %dma_start3A_14 = tpu.memref_squeeze %dma_start3A_13 : memref<1x!tpu.dma_semaphore, #tpu.memory_space<semaphore_mem>> -> memref<!tpu.dma_semaphore, #tpu.memory_space<semaphore_mem>>
    tpu.enqueue_indirect_dma source(%dma_start3A_12 : memref<10752x768xf32, #tpu.memory_space<hbm>>) target(%dma_start3A_6 : memref<64x768xf32, #tpu.memory_space<vmem>>) offsets(%dma_start3A_9 : memref<64xi32, #tpu.memory_space<vmem>>) semaphore(%dma_start3A_14 : memref<!tpu.dma_semaphore, #tpu.memory_space<semaphore_mem>>)
    %dma_start3A_15 = arith.constant 1 : i32
    %dma_start3A_16 = arith.constant 1 : i32
    %dma_start3A_17 = arith.constant 1 : i32
    %dma_start3A_18 = arith.constant 0 : i32
    %dma_start3A_19 = arith.constant 0 : i32
    %dma_start3A_20 = tpu.memref_slice %arg6[%dma_start3A_16, %dma_start3A_18, %dma_start3A_19] : memref<2x64x768xf32, #tpu.memory_space<vmem>> -> memref<1x64x768xf32, #tpu.memory_space<vmem>>
    %dma_start3A_21 = tpu.memref_squeeze %dma_start3A_20 : memref<1x64x768xf32, #tpu.memory_space<vmem>> -> memref<64x768xf32, #tpu.memory_space<vmem>>
    %dma_start3A_22 = arith.constant 0 : i32
    %dma_start3A_23 = tpu.memref_slice %arg5[%dma_start3A_15, %dma_start3A_22] : memref<4x64xi32, #tpu.memory_space<vmem>> -> memref<1x64xi32, #tpu.memory_space<vmem>>
    %dma_start3A_24 = tpu.memref_squeeze %dma_start3A_23 : memref<1x64xi32, #tpu.memory_space<vmem>> -> memref<64xi32, #tpu.memory_space<vmem>>
    %dma_start3A_25 = arith.constant 0 : i32
    %dma_start3A_26 = arith.constant 0 : i32
    %dma_start3A_27 = tpu.memref_slice %arg2[%dma_start3A_25, %dma_start3A_26] : memref<10752x768xf32, #tpu.memory_space<hbm>> -> memref<10752x768xf32, #tpu.memory_space<hbm>>
    %dma_start3A_28 = tpu.memref_slice %arg7[%dma_start3A_17] : memref<3x!tpu.dma_semaphore, #tpu.memory_space<semaphore_mem>> -> memref<1x!tpu.dma_semaphore, #tpu.memory_space<semaphore_mem>>
    %dma_start3A_29 = tpu.memref_squeeze %dma_start3A_28 : memref<1x!tpu.dma_semaphore, #tpu.memory_space<semaphore_mem>> -> memref<!tpu.dma_semaphore, #tpu.memory_space<semaphore_mem>>
    tpu.enqueue_indirect_dma source(%dma_start3A_27 : memref<10752x768xf32, #tpu.memory_space<hbm>>) target(%dma_start3A_21 : memref<64x768xf32, #tpu.memory_space<vmem>>) offsets(%dma_start3A_24 : memref<64xi32, #tpu.memory_space<vmem>>) semaphore(%dma_start3A_29 : memref<!tpu.dma_semaphore, #tpu.memory_space<semaphore_mem>>)
    %dma_wait3A = arith.constant 0 : i32
    %dma_wait3A_30 = arith.constant 0 : i32
    %dma_wait3A_31 = arith.constant 0 : i32
    %dma_wait3A_32 = arith.constant 0 : i32
    %dma_wait3A_33 = arith.constant 0 : i32
    %dma_wait3A_34 = tpu.memref_slice %arg6[%dma_wait3A_30, %dma_wait3A_32, %dma_wait3A_33] : memref<2x64x768xf32, #tpu.memory_space<vmem>> -> memref<1x64x768xf32, #tpu.memory_space<vmem>>
    %dma_wait3A_35 = tpu.memref_squeeze %dma_wait3A_34 : memref<1x64x768xf32, #tpu.memory_space<vmem>> -> memref<64x768xf32, #tpu.memory_space<vmem>>
    %dma_wait3A_36 = arith.constant 0 : i32
    %dma_wait3A_37 = tpu.memref_slice %arg5[%dma_wait3A, %dma_wait3A_36] : memref<4x64xi32, #tpu.memory_space<vmem>> -> memref<1x64xi32, #tpu.memory_space<vmem>>
    %dma_wait3A_38 = tpu.memref_squeeze %dma_wait3A_37 : memref<1x64xi32, #tpu.memory_space<vmem>> -> memref<64xi32, #tpu.memory_space<vmem>>
    %dma_wait3A_39 = arith.constant 0 : i32
    %dma_wait3A_40 = arith.constant 0 : i32
    %dma_wait3A_41 = tpu.memref_slice %arg2[%dma_wait3A_39, %dma_wait3A_40] : memref<10752x768xf32, #tpu.memory_space<hbm>> -> memref<10752x768xf32, #tpu.memory_space<hbm>>
    %dma_wait3A_42 = tpu.memref_slice %arg7[%dma_wait3A_31] : memref<3x!tpu.dma_semaphore, #tpu.memory_space<semaphore_mem>> -> memref<1x!tpu.dma_semaphore, #tpu.memory_space<semaphore_mem>>
    %dma_wait3A_43 = tpu.memref_squeeze %dma_wait3A_42 : memref<1x!tpu.dma_semaphore, #tpu.memory_space<semaphore_mem>> -> memref<!tpu.dma_semaphore, #tpu.memory_space<semaphore_mem>>
    tpu.wait_indirect_dma semaphore(%dma_wait3A_43 : memref<!tpu.dma_semaphore, #tpu.memory_space<semaphore_mem>>) src(%dma_wait3A_41 : memref<10752x768xf32, #tpu.memory_space<hbm>>) dst(%dma_wait3A_35 : memref<64x768xf32, #tpu.memory_space<vmem>>)
    %mul3A_44 = arith.constant 256 : i32
    %mul3A_45 = arith.muli %add3A, %mul3A_44 : i32
    %add3A_46 = arith.constant 0 : i32
    %add3A_47 = arith.addi %mul3A_45, %add3A_46 : i32
    %dma_start3A_48 = arith.constant 0 : i32
    %dma_start3A_49 = arith.constant 2 : i32
    %dma_start3A_50 = arith.constant 0 : i32
    %dma_start3A_51 = arith.constant 0 : i32
    %dma_start3A_52 = tpu.memref_slice %arg6[%dma_start3A_48, %dma_start3A_50, %dma_start3A_51] : memref<2x64x768xf32, #tpu.memory_space<vmem>> -> memref<1x64x768xf32, #tpu.memory_space<vmem>>
    %dma_start3A_53 = tpu.memref_squeeze %dma_start3A_52 : memref<1x64x768xf32, #tpu.memory_space<vmem>> -> memref<64x768xf32, #tpu.memory_space<vmem>>
    %dma_start3A_54 = arith.constant 0 : i32
    %dma_start3A_55 = tpu.memref_slice %arg4[%add3A_47, %dma_start3A_54] : memref<8192x768xf32, #tpu.memory_space<hbm>> -> memref<64x768xf32, #tpu.memory_space<hbm>>
    %dma_start3A_56 = tpu.memref_slice %arg7[%dma_start3A_49] : memref<3x!tpu.dma_semaphore, #tpu.memory_space<semaphore_mem>> -> memref<1x!tpu.dma_semaphore, #tpu.memory_space<semaphore_mem>>
    %dma_start3A_57 = tpu.memref_squeeze %dma_start3A_56 : memref<1x!tpu.dma_semaphore, #tpu.memory_space<semaphore_mem>> -> memref<!tpu.dma_semaphore, #tpu.memory_space<semaphore_mem>>
    %dma_start3A_58 = arith.constant 0 : i32
    %dma_start3A_59 = tpu.memref_slice %arg4[%add3A_47, %dma_start3A_58] : memref<8192x768xf32, #tpu.memory_space<hbm>> -> memref<64x768xf32, #tpu.memory_space<hbm>>
    %dma_start3A_60 = arith.constant 0 : i32
    %dma_start3A_61 = arith.constant 0 : i32
    %dma_start3A_62 = tpu.memref_slice %arg6[%dma_start3A_48, %dma_start3A_60, %dma_start3A_61] : memref<2x64x768xf32, #tpu.memory_space<vmem>> -> memref<1x64x768xf32, #tpu.memory_space<vmem>>
    %dma_start3A_63 = tpu.memref_squeeze %dma_start3A_62 : memref<1x64x768xf32, #tpu.memory_space<vmem>> -> memref<64x768xf32, #tpu.memory_space<vmem>>
    tpu.enqueue_dma source(%dma_start3A_63 : memref<64x768xf32, #tpu.memory_space<vmem>>) target(%dma_start3A_59 : memref<64x768xf32, #tpu.memory_space<hbm>>) target_semaphore(%dma_start3A_57 : memref<!tpu.dma_semaphore, #tpu.memory_space<semaphore_mem>>)
    %dma_wait3A_64 = arith.constant 0 : i32
    %dma_wait3A_65 = arith.constant 2 : i32
    %dma_wait3A_66 = arith.constant 0 : i32
    %dma_wait3A_67 = arith.constant 0 : i32
    %dma_wait3A_68 = tpu.memref_slice %arg6[%dma_wait3A_64, %dma_wait3A_66, %dma_wait3A_67] : memref<2x64x768xf32, #tpu.memory_space<vmem>> -> memref<1x64x768xf32, #tpu.memory_space<vmem>>
    %dma_wait3A_69 = tpu.memref_squeeze %dma_wait3A_68 : memref<1x64x768xf32, #tpu.memory_space<vmem>> -> memref<64x768xf32, #tpu.memory_space<vmem>>
    %dma_wait3A_70 = arith.constant 0 : i32
    %dma_wait3A_71 = tpu.memref_slice %arg4[%add3A_47, %dma_wait3A_70] : memref<8192x768xf32, #tpu.memory_space<hbm>> -> memref<64x768xf32, #tpu.memory_space<hbm>>
    %dma_wait3A_72 = tpu.memref_slice %arg7[%dma_wait3A_65] : memref<3x!tpu.dma_semaphore, #tpu.memory_space<semaphore_mem>> -> memref<1x!tpu.dma_semaphore, #tpu.memory_space<semaphore_mem>>
    %dma_wait3A_73 = tpu.memref_squeeze %dma_wait3A_72 : memref<1x!tpu.dma_semaphore, #tpu.memory_space<semaphore_mem>> -> memref<!tpu.dma_semaphore, #tpu.memory_space<semaphore_mem>>
    %dma_wait3A_74 = arith.constant 0 : i32
    %dma_wait3A_75 = tpu.memref_slice %arg4[%add3A_47, %dma_wait3A_74] : memref<8192x768xf32, #tpu.memory_space<hbm>> -> memref<64x768xf32, #tpu.memory_space<hbm>>
    %dma_wait3A_76 = arith.constant 0 : i32
    %dma_wait3A_77 = arith.constant 0 : i32
    %dma_wait3A_78 = tpu.memref_slice %arg6[%dma_wait3A_64, %dma_wait3A_76, %dma_wait3A_77] : memref<2x64x768xf32, #tpu.memory_space<vmem>> -> memref<1x64x768xf32, #tpu.memory_space<vmem>>
    %dma_wait3A_79 = tpu.memref_squeeze %dma_wait3A_78 : memref<1x64x768xf32, #tpu.memory_space<vmem>> -> memref<64x768xf32, #tpu.memory_space<vmem>>
    tpu.wait_dma2 semaphore(%dma_wait3A_73 : memref<!tpu.dma_semaphore, #tpu.memory_space<semaphore_mem>>) src(%dma_wait3A_79 : memref<64x768xf32, #tpu.memory_space<vmem>>) dst(%dma_wait3A_75 : memref<64x768xf32, #tpu.memory_space<hbm>>)
    %dma_start3A_80 = arith.constant 2 : i32
    %dma_start3A_81 = arith.constant 0 : i32
    %dma_start3A_82 = arith.constant 0 : i32
    %dma_start3A_83 = arith.constant 0 : i32
    %dma_start3A_84 = arith.constant 0 : i32
    %dma_start3A_85 = tpu.memref_slice %arg6[%dma_start3A_81, %dma_start3A_83, %dma_start3A_84] : memref<2x64x768xf32, #tpu.memory_space<vmem>> -> memref<1x64x768xf32, #tpu.memory_space<vmem>>
    %dma_start3A_86 = tpu.memref_squeeze %dma_start3A_85 : memref<1x64x768xf32, #tpu.memory_space<vmem>> -> memref<64x768xf32, #tpu.memory_space<vmem>>
    %dma_start3A_87 = arith.constant 0 : i32
    %dma_start3A_88 = tpu.memref_slice %arg5[%dma_start3A_80, %dma_start3A_87] : memref<4x64xi32, #tpu.memory_space<vmem>> -> memref<1x64xi32, #tpu.memory_space<vmem>>
    %dma_start3A_89 = tpu.memref_squeeze %dma_start3A_88 : memref<1x64xi32, #tpu.memory_space<vmem>> -> memref<64xi32, #tpu.memory_space<vmem>>
    %dma_start3A_90 = arith.constant 0 : i32
    %dma_start3A_91 = arith.constant 0 : i32
    %dma_start3A_92 = tpu.memref_slice %arg2[%dma_start3A_90, %dma_start3A_91] : memref<10752x768xf32, #tpu.memory_space<hbm>> -> memref<10752x768xf32, #tpu.memory_space<hbm>>
    %dma_start3A_93 = tpu.memref_slice %arg7[%dma_start3A_82] : memref<3x!tpu.dma_semaphore, #tpu.memory_space<semaphore_mem>> -> memref<1x!tpu.dma_semaphore, #tpu.memory_space<semaphore_mem>>
    %dma_start3A_94 = tpu.memref_squeeze %dma_start3A_93 : memref<1x!tpu.dma_semaphore, #tpu.memory_space<semaphore_mem>> -> memref<!tpu.dma_semaphore, #tpu.memory_space<semaphore_mem>>
    tpu.enqueue_indirect_dma source(%dma_start3A_92 : memref<10752x768xf32, #tpu.memory_space<hbm>>) target(%dma_start3A_86 : memref<64x768xf32, #tpu.memory_space<vmem>>) offsets(%dma_start3A_89 : memref<64xi32, #tpu.memory_space<vmem>>) semaphore(%dma_start3A_94 : memref<!tpu.dma_semaphore, #tpu.memory_space<semaphore_mem>>)
    %dma_wait3A_95 = arith.constant 1 : i32
    %dma_wait3A_96 = arith.constant 1 : i32
    %dma_wait3A_97 = arith.constant 1 : i32
    %dma_wait3A_98 = arith.constant 0 : i32
    %dma_wait3A_99 = arith.constant 0 : i32
    %dma_wait3A_100 = tpu.memref_slice %arg6[%dma_wait3A_96, %dma_wait3A_98, %dma_wait3A_99] : memref<2x64x768xf32, #tpu.memory_space<vmem>> -> memref<1x64x768xf32, #tpu.memory_space<vmem>>
    %dma_wait3A_101 = tpu.memref_squeeze %dma_wait3A_100 : memref<1x64x768xf32, #tpu.memory_space<vmem>> -> memref<64x768xf32, #tpu.memory_space<vmem>>
    %dma_wait3A_102 = arith.constant 0 : i32
    %dma_wait3A_103 = tpu.memref_slice %arg5[%dma_wait3A_95, %dma_wait3A_102] : memref<4x64xi32, #tpu.memory_space<vmem>> -> memref<1x64xi32, #tpu.memory_space<vmem>>
    %dma_wait3A_104 = tpu.memref_squeeze %dma_wait3A_103 : memref<1x64xi32, #tpu.memory_space<vmem>> -> memref<64xi32, #tpu.memory_space<vmem>>
    %dma_wait3A_105 = arith.constant 0 : i32
    %dma_wait3A_106 = arith.constant 0 : i32
    %dma_wait3A_107 = tpu.memref_slice %arg2[%dma_wait3A_105, %dma_wait3A_106] : memref<10752x768xf32, #tpu.memory_space<hbm>> -> memref<10752x768xf32, #tpu.memory_space<hbm>>
    %dma_wait3A_108 = tpu.memref_slice %arg7[%dma_wait3A_97] : memref<3x!tpu.dma_semaphore, #tpu.memory_space<semaphore_mem>> -> memref<1x!tpu.dma_semaphore, #tpu.memory_space<semaphore_mem>>
    %dma_wait3A_109 = tpu.memref_squeeze %dma_wait3A_108 : memref<1x!tpu.dma_semaphore, #tpu.memory_space<semaphore_mem>> -> memref<!tpu.dma_semaphore, #tpu.memory_space<semaphore_mem>>
    tpu.wait_indirect_dma semaphore(%dma_wait3A_109 : memref<!tpu.dma_semaphore, #tpu.memory_space<semaphore_mem>>) src(%dma_wait3A_107 : memref<10752x768xf32, #tpu.memory_space<hbm>>) dst(%dma_wait3A_101 : memref<64x768xf32, #tpu.memory_space<vmem>>)
    %mul3A_110 = arith.constant 256 : i32
    %mul3A_111 = arith.muli %add3A, %mul3A_110 : i32
    %add3A_112 = arith.constant 64 : i32
    %add3A_113 = arith.addi %mul3A_111, %add3A_112 : i32
    %dma_start3A_114 = arith.constant 1 : i32
    %dma_start3A_115 = arith.constant 2 : i32
    %dma_start3A_116 = arith.constant 0 : i32
    %dma_start3A_117 = arith.constant 0 : i32
    %dma_start3A_118 = tpu.memref_slice %arg6[%dma_start3A_114, %dma_start3A_116, %dma_start3A_117] : memref<2x64x768xf32, #tpu.memory_space<vmem>> -> memref<1x64x768xf32, #tpu.memory_space<vmem>>
    %dma_start3A_119 = tpu.memref_squeeze %dma_start3A_118 : memref<1x64x768xf32, #tpu.memory_space<vmem>> -> memref<64x768xf32, #tpu.memory_space<vmem>>
    %dma_start3A_120 = arith.constant 0 : i32
    %dma_start3A_121 = tpu.memref_slice %arg4[%add3A_113, %dma_start3A_120] : memref<8192x768xf32, #tpu.memory_space<hbm>> -> memref<64x768xf32, #tpu.memory_space<hbm>>
    %dma_start3A_122 = tpu.memref_slice %arg7[%dma_start3A_115] : memref<3x!tpu.dma_semaphore, #tpu.memory_space<semaphore_mem>> -> memref<1x!tpu.dma_semaphore, #tpu.memory_space<semaphore_mem>>
    %dma_start3A_123 = tpu.memref_squeeze %dma_start3A_122 : memref<1x!tpu.dma_semaphore, #tpu.memory_space<semaphore_mem>> -> memref<!tpu.dma_semaphore, #tpu.memory_space<semaphore_mem>>
    %dma_start3A_124 = arith.constant 0 : i32
    %dma_start3A_125 = tpu.memref_slice %arg4[%add3A_113, %dma_start3A_124] : memref<8192x768xf32, #tpu.memory_space<hbm>> -> memref<64x768xf32, #tpu.memory_space<hbm>>
    %dma_start3A_126 = arith.constant 0 : i32
    %dma_start3A_127 = arith.constant 0 : i32
    %dma_start3A_128 = tpu.memref_slice %arg6[%dma_start3A_114, %dma_start3A_126, %dma_start3A_127] : memref<2x64x768xf32, #tpu.memory_space<vmem>> -> memref<1x64x768xf32, #tpu.memory_space<vmem>>
    %dma_start3A_129 = tpu.memref_squeeze %dma_start3A_128 : memref<1x64x768xf32, #tpu.memory_space<vmem>> -> memref<64x768xf32, #tpu.memory_space<vmem>>
    tpu.enqueue_dma source(%dma_start3A_129 : memref<64x768xf32, #tpu.memory_space<vmem>>) target(%dma_start3A_125 : memref<64x768xf32, #tpu.memory_space<hbm>>) target_semaphore(%dma_start3A_123 : memref<!tpu.dma_semaphore, #tpu.memory_space<semaphore_mem>>)
    %dma_wait3A_130 = arith.constant 1 : i32
    %dma_wait3A_131 = arith.constant 2 : i32
    %dma_wait3A_132 = arith.constant 0 : i32
    %dma_wait3A_133 = arith.constant 0 : i32
    %dma_wait3A_134 = tpu.memref_slice %arg6[%dma_wait3A_130, %dma_wait3A_132, %dma_wait3A_133] : memref<2x64x768xf32, #tpu.memory_space<vmem>> -> memref<1x64x768xf32, #tpu.memory_space<vmem>>
    %dma_wait3A_135 = tpu.memref_squeeze %dma_wait3A_134 : memref<1x64x768xf32, #tpu.memory_space<vmem>> -> memref<64x768xf32, #tpu.memory_space<vmem>>
    %dma_wait3A_136 = arith.constant 0 : i32
    %dma_wait3A_137 = tpu.memref_slice %arg4[%add3A_113, %dma_wait3A_136] : memref<8192x768xf32, #tpu.memory_space<hbm>> -> memref<64x768xf32, #tpu.memory_space<hbm>>
    %dma_wait3A_138 = tpu.memref_slice %arg7[%dma_wait3A_131] : memref<3x!tpu.dma_semaphore, #tpu.memory_space<semaphore_mem>> -> memref<1x!tpu.dma_semaphore, #tpu.memory_space<semaphore_mem>>
    %dma_wait3A_139 = tpu.memref_squeeze %dma_wait3A_138 : memref<1x!tpu.dma_semaphore, #tpu.memory_space<semaphore_mem>> -> memref<!tpu.dma_semaphore, #tpu.memory_space<semaphore_mem>>
    %dma_wait3A_140 = arith.constant 0 : i32
    %dma_wait3A_141 = tpu.memref_slice %arg4[%add3A_113, %dma_wait3A_140] : memref<8192x768xf32, #tpu.memory_space<hbm>> -> memref<64x768xf32, #tpu.memory_space<hbm>>
    %dma_wait3A_142 = arith.constant 0 : i32
    %dma_wait3A_143 = arith.constant 0 : i32
    %dma_wait3A_144 = tpu.memref_slice %arg6[%dma_wait3A_130, %dma_wait3A_142, %dma_wait3A_143] : memref<2x64x768xf32, #tpu.memory_space<vmem>> -> memref<1x64x768xf32, #tpu.memory_space<vmem>>
    %dma_wait3A_145 = tpu.memref_squeeze %dma_wait3A_144 : memref<1x64x768xf32, #tpu.memory_space<vmem>> -> memref<64x768xf32, #tpu.memory_space<vmem>>
    tpu.wait_dma2 semaphore(%dma_wait3A_139 : memref<!tpu.dma_semaphore, #tpu.memory_space<semaphore_mem>>) src(%dma_wait3A_145 : memref<64x768xf32, #tpu.memory_space<vmem>>) dst(%dma_wait3A_141 : memref<64x768xf32, #tpu.memory_space<hbm>>)
    %dma_start3A_146 = arith.constant 3 : i32
    %dma_start3A_147 = arith.constant 1 : i32
    %dma_start3A_148 = arith.constant 1 : i32
    %dma_start3A_149 = arith.constant 0 : i32
    %dma_start3A_150 = arith.constant 0 : i32
    %dma_start3A_151 = tpu.memref_slice %arg6[%dma_start3A_147, %dma_start3A_149, %dma_start3A_150] : memref<2x64x768xf32, #tpu.memory_space<vmem>> -> memref<1x64x768xf32, #tpu.memory_space<vmem>>
    %dma_start3A_152 = tpu.memref_squeeze %dma_start3A_151 : memref<1x64x768xf32, #tpu.memory_space<vmem>> -> memref<64x768xf32, #tpu.memory_space<vmem>>
    %dma_start3A_153 = arith.constant 0 : i32
    %dma_start3A_154 = tpu.memref_slice %arg5[%dma_start3A_146, %dma_start3A_153] : memref<4x64xi32, #tpu.memory_space<vmem>> -> memref<1x64xi32, #tpu.memory_space<vmem>>
    %dma_start3A_155 = tpu.memref_squeeze %dma_start3A_154 : memref<1x64xi32, #tpu.memory_space<vmem>> -> memref<64xi32, #tpu.memory_space<vmem>>
    %dma_start3A_156 = arith.constant 0 : i32
    %dma_start3A_157 = arith.constant 0 : i32
    %dma_start3A_158 = tpu.memref_slice %arg2[%dma_start3A_156, %dma_start3A_157] : memref<10752x768xf32, #tpu.memory_space<hbm>> -> memref<10752x768xf32, #tpu.memory_space<hbm>>
    %dma_start3A_159 = tpu.memref_slice %arg7[%dma_start3A_148] : memref<3x!tpu.dma_semaphore, #tpu.memory_space<semaphore_mem>> -> memref<1x!tpu.dma_semaphore, #tpu.memory_space<semaphore_mem>>
    %dma_start3A_160 = tpu.memref_squeeze %dma_start3A_159 : memref<1x!tpu.dma_semaphore, #tpu.memory_space<semaphore_mem>> -> memref<!tpu.dma_semaphore, #tpu.memory_space<semaphore_mem>>
    tpu.enqueue_indirect_dma source(%dma_start3A_158 : memref<10752x768xf32, #tpu.memory_space<hbm>>) target(%dma_start3A_152 : memref<64x768xf32, #tpu.memory_space<vmem>>) offsets(%dma_start3A_155 : memref<64xi32, #tpu.memory_space<vmem>>) semaphore(%dma_start3A_160 : memref<!tpu.dma_semaphore, #tpu.memory_space<semaphore_mem>>)
    %dma_wait3A_161 = arith.constant 2 : i32
    %dma_wait3A_162 = arith.constant 0 : i32
    %dma_wait3A_163 = arith.constant 0 : i32
    %dma_wait3A_164 = arith.constant 0 : i32
    %dma_wait3A_165 = arith.constant 0 : i32
    %dma_wait3A_166 = tpu.memref_slice %arg6[%dma_wait3A_162, %dma_wait3A_164, %dma_wait3A_165] : memref<2x64x768xf32, #tpu.memory_space<vmem>> -> memref<1x64x768xf32, #tpu.memory_space<vmem>>
    %dma_wait3A_167 = tpu.memref_squeeze %dma_wait3A_166 : memref<1x64x768xf32, #tpu.memory_space<vmem>> -> memref<64x768xf32, #tpu.memory_space<vmem>>
    %dma_wait3A_168 = arith.constant 0 : i32
    %dma_wait3A_169 = tpu.memref_slice %arg5[%dma_wait3A_161, %dma_wait3A_168] : memref<4x64xi32, #tpu.memory_space<vmem>> -> memref<1x64xi32, #tpu.memory_space<vmem>>
    %dma_wait3A_170 = tpu.memref_squeeze %dma_wait3A_169 : memref<1x64xi32, #tpu.memory_space<vmem>> -> memref<64xi32, #tpu.memory_space<vmem>>
    %dma_wait3A_171 = arith.constant 0 : i32
    %dma_wait3A_172 = arith.constant 0 : i32
    %dma_wait3A_173 = tpu.memref_slice %arg2[%dma_wait3A_171, %dma_wait3A_172] : memref<10752x768xf32, #tpu.memory_space<hbm>> -> memref<10752x768xf32, #tpu.memory_space<hbm>>
    %dma_wait3A_174 = tpu.memref_slice %arg7[%dma_wait3A_163] : memref<3x!tpu.dma_semaphore, #tpu.memory_space<semaphore_mem>> -> memref<1x!tpu.dma_semaphore, #tpu.memory_space<semaphore_mem>>
    %dma_wait3A_175 = tpu.memref_squeeze %dma_wait3A_174 : memref<1x!tpu.dma_semaphore, #tpu.memory_space<semaphore_mem>> -> memref<!tpu.dma_semaphore, #tpu.memory_space<semaphore_mem>>
    tpu.wait_indirect_dma semaphore(%dma_wait3A_175 : memref<!tpu.dma_semaphore, #tpu.memory_space<semaphore_mem>>) src(%dma_wait3A_173 : memref<10752x768xf32, #tpu.memory_space<hbm>>) dst(%dma_wait3A_167 : memref<64x768xf32, #tpu.memory_space<vmem>>)
    %mul3A_176 = arith.constant 256 : i32
    %mul3A_177 = arith.muli %add3A, %mul3A_176 : i32
    %add3A_178 = arith.constant 128 : i32
    %add3A_179 = arith.addi %mul3A_177, %add3A_178 : i32
    %dma_start3A_180 = arith.constant 0 : i32
    %dma_start3A_181 = arith.constant 2 : i32
    %dma_start3A_182 = arith.constant 0 : i32
    %dma_start3A_183 = arith.constant 0 : i32
    %dma_start3A_184 = tpu.memref_slice %arg6[%dma_start3A_180, %dma_start3A_182, %dma_start3A_183] : memref<2x64x768xf32, #tpu.memory_space<vmem>> -> memref<1x64x768xf32, #tpu.memory_space<vmem>>
    %dma_start3A_185 = tpu.memref_squeeze %dma_start3A_184 : memref<1x64x768xf32, #tpu.memory_space<vmem>> -> memref<64x768xf32, #tpu.memory_space<vmem>>
    %dma_start3A_186 = arith.constant 0 : i32
    %dma_start3A_187 = tpu.memref_slice %arg4[%add3A_179, %dma_start3A_186] : memref<8192x768xf32, #tpu.memory_space<hbm>> -> memref<64x768xf32, #tpu.memory_space<hbm>>
    %dma_start3A_188 = tpu.memref_slice %arg7[%dma_start3A_181] : memref<3x!tpu.dma_semaphore, #tpu.memory_space<semaphore_mem>> -> memref<1x!tpu.dma_semaphore, #tpu.memory_space<semaphore_mem>>
    %dma_start3A_189 = tpu.memref_squeeze %dma_start3A_188 : memref<1x!tpu.dma_semaphore, #tpu.memory_space<semaphore_mem>> -> memref<!tpu.dma_semaphore, #tpu.memory_space<semaphore_mem>>
    %dma_start3A_190 = arith.constant 0 : i32
    %dma_start3A_191 = tpu.memref_slice %arg4[%add3A_179, %dma_start3A_190] : memref<8192x768xf32, #tpu.memory_space<hbm>> -> memref<64x768xf32, #tpu.memory_space<hbm>>
    %dma_start3A_192 = arith.constant 0 : i32
    %dma_start3A_193 = arith.constant 0 : i32
    %dma_start3A_194 = tpu.memref_slice %arg6[%dma_start3A_180, %dma_start3A_192, %dma_start3A_193] : memref<2x64x768xf32, #tpu.memory_space<vmem>> -> memref<1x64x768xf32, #tpu.memory_space<vmem>>
    %dma_start3A_195 = tpu.memref_squeeze %dma_start3A_194 : memref<1x64x768xf32, #tpu.memory_space<vmem>> -> memref<64x768xf32, #tpu.memory_space<vmem>>
    tpu.enqueue_dma source(%dma_start3A_195 : memref<64x768xf32, #tpu.memory_space<vmem>>) target(%dma_start3A_191 : memref<64x768xf32, #tpu.memory_space<hbm>>) target_semaphore(%dma_start3A_189 : memref<!tpu.dma_semaphore, #tpu.memory_space<semaphore_mem>>)
    %dma_wait3A_196 = arith.constant 0 : i32
    %dma_wait3A_197 = arith.constant 2 : i32
    %dma_wait3A_198 = arith.constant 0 : i32
    %dma_wait3A_199 = arith.constant 0 : i32
    %dma_wait3A_200 = tpu.memref_slice %arg6[%dma_wait3A_196, %dma_wait3A_198, %dma_wait3A_199] : memref<2x64x768xf32, #tpu.memory_space<vmem>> -> memref<1x64x768xf32, #tpu.memory_space<vmem>>
    %dma_wait3A_201 = tpu.memref_squeeze %dma_wait3A_200 : memref<1x64x768xf32, #tpu.memory_space<vmem>> -> memref<64x768xf32, #tpu.memory_space<vmem>>
    %dma_wait3A_202 = arith.constant 0 : i32
    %dma_wait3A_203 = tpu.memref_slice %arg4[%add3A_179, %dma_wait3A_202] : memref<8192x768xf32, #tpu.memory_space<hbm>> -> memref<64x768xf32, #tpu.memory_space<hbm>>
    %dma_wait3A_204 = tpu.memref_slice %arg7[%dma_wait3A_197] : memref<3x!tpu.dma_semaphore, #tpu.memory_space<semaphore_mem>> -> memref<1x!tpu.dma_semaphore, #tpu.memory_space<semaphore_mem>>
    %dma_wait3A_205 = tpu.memref_squeeze %dma_wait3A_204 : memref<1x!tpu.dma_semaphore, #tpu.memory_space<semaphore_mem>> -> memref<!tpu.dma_semaphore, #tpu.memory_space<semaphore_mem>>
    %dma_wait3A_206 = arith.constant 0 : i32
    %dma_wait3A_207 = tpu.memref_slice %arg4[%add3A_179, %dma_wait3A_206] : memref<8192x768xf32, #tpu.memory_space<hbm>> -> memref<64x768xf32, #tpu.memory_space<hbm>>
    %dma_wait3A_208 = arith.constant 0 : i32
    %dma_wait3A_209 = arith.constant 0 : i32
    %dma_wait3A_210 = tpu.memref_slice %arg6[%dma_wait3A_196, %dma_wait3A_208, %dma_wait3A_209] : memref<2x64x768xf32, #tpu.memory_space<vmem>> -> memref<1x64x768xf32, #tpu.memory_space<vmem>>
    %dma_wait3A_211 = tpu.memref_squeeze %dma_wait3A_210 : memref<1x64x768xf32, #tpu.memory_space<vmem>> -> memref<64x768xf32, #tpu.memory_space<vmem>>
    tpu.wait_dma2 semaphore(%dma_wait3A_205 : memref<!tpu.dma_semaphore, #tpu.memory_space<semaphore_mem>>) src(%dma_wait3A_211 : memref<64x768xf32, #tpu.memory_space<vmem>>) dst(%dma_wait3A_207 : memref<64x768xf32, #tpu.memory_space<hbm>>)
    %dma_wait3A_212 = arith.constant 3 : i32
    %dma_wait3A_213 = arith.constant 1 : i32
    %dma_wait3A_214 = arith.constant 1 : i32
    %dma_wait3A_215 = arith.constant 0 : i32
    %dma_wait3A_216 = arith.constant 0 : i32
    %dma_wait3A_217 = tpu.memref_slice %arg6[%dma_wait3A_213, %dma_wait3A_215, %dma_wait3A_216] : memref<2x64x768xf32, #tpu.memory_space<vmem>> -> memref<1x64x768xf32, #tpu.memory_space<vmem>>
    %dma_wait3A_218 = tpu.memref_squeeze %dma_wait3A_217 : memref<1x64x768xf32, #tpu.memory_space<vmem>> -> memref<64x768xf32, #tpu.memory_space<vmem>>
    %dma_wait3A_219 = arith.constant 0 : i32
    %dma_wait3A_220 = tpu.memref_slice %arg5[%dma_wait3A_212, %dma_wait3A_219] : memref<4x64xi32, #tpu.memory_space<vmem>> -> memref<1x64xi32, #tpu.memory_space<vmem>>
    %dma_wait3A_221 = tpu.memref_squeeze %dma_wait3A_220 : memref<1x64xi32, #tpu.memory_space<vmem>> -> memref<64xi32, #tpu.memory_space<vmem>>
    %dma_wait3A_222 = arith.constant 0 : i32
    %dma_wait3A_223 = arith.constant 0 : i32
    %dma_wait3A_224 = tpu.memref_slice %arg2[%dma_wait3A_222, %dma_wait3A_223] : memref<10752x768xf32, #tpu.memory_space<hbm>> -> memref<10752x768xf32, #tpu.memory_space<hbm>>
    %dma_wait3A_225 = tpu.memref_slice %arg7[%dma_wait3A_214] : memref<3x!tpu.dma_semaphore, #tpu.memory_space<semaphore_mem>> -> memref<1x!tpu.dma_semaphore, #tpu.memory_space<semaphore_mem>>
    %dma_wait3A_226 = tpu.memref_squeeze %dma_wait3A_225 : memref<1x!tpu.dma_semaphore, #tpu.memory_space<semaphore_mem>> -> memref<!tpu.dma_semaphore, #tpu.memory_space<semaphore_mem>>
    tpu.wait_indirect_dma semaphore(%dma_wait3A_226 : memref<!tpu.dma_semaphore, #tpu.memory_space<semaphore_mem>>) src(%dma_wait3A_224 : memref<10752x768xf32, #tpu.memory_space<hbm>>) dst(%dma_wait3A_218 : memref<64x768xf32, #tpu.memory_space<vmem>>)
    %mul3A_227 = arith.constant 256 : i32
    %mul3A_228 = arith.muli %add3A, %mul3A_227 : i32
    %add3A_229 = arith.constant 192 : i32
    %add3A_230 = arith.addi %mul3A_228, %add3A_229 : i32
    %dma_start3A_231 = arith.constant 1 : i32
    %dma_start3A_232 = arith.constant 2 : i32
    %dma_start3A_233 = arith.constant 0 : i32
    %dma_start3A_234 = arith.constant 0 : i32
    %dma_start3A_235 = tpu.memref_slice %arg6[%dma_start3A_231, %dma_start3A_233, %dma_start3A_234] : memref<2x64x768xf32, #tpu.memory_space<vmem>> -> memref<1x64x768xf32, #tpu.memory_space<vmem>>
    %dma_start3A_236 = tpu.memref_squeeze %dma_start3A_235 : memref<1x64x768xf32, #tpu.memory_space<vmem>> -> memref<64x768xf32, #tpu.memory_space<vmem>>
    %dma_start3A_237 = arith.constant 0 : i32
    %dma_start3A_238 = tpu.memref_slice %arg4[%add3A_230, %dma_start3A_237] : memref<8192x768xf32, #tpu.memory_space<hbm>> -> memref<64x768xf32, #tpu.memory_space<hbm>>
    %dma_start3A_239 = tpu.memref_slice %arg7[%dma_start3A_232] : memref<3x!tpu.dma_semaphore, #tpu.memory_space<semaphore_mem>> -> memref<1x!tpu.dma_semaphore, #tpu.memory_space<semaphore_mem>>
    %dma_start3A_240 = tpu.memref_squeeze %dma_start3A_239 : memref<1x!tpu.dma_semaphore, #tpu.memory_space<semaphore_mem>> -> memref<!tpu.dma_semaphore, #tpu.memory_space<semaphore_mem>>
    %dma_start3A_241 = arith.constant 0 : i32
    %dma_start3A_242 = tpu.memref_slice %arg4[%add3A_230, %dma_start3A_241] : memref<8192x768xf32, #tpu.memory_space<hbm>> -> memref<64x768xf32, #tpu.memory_space<hbm>>
    %dma_start3A_243 = arith.constant 0 : i32
    %dma_start3A_244 = arith.constant 0 : i32
    %dma_start3A_245 = tpu.memref_slice %arg6[%dma_start3A_231, %dma_start3A_243, %dma_start3A_244] : memref<2x64x768xf32, #tpu.memory_space<vmem>> -> memref<1x64x768xf32, #tpu.memory_space<vmem>>
    %dma_start3A_246 = tpu.memref_squeeze %dma_start3A_245 : memref<1x64x768xf32, #tpu.memory_space<vmem>> -> memref<64x768xf32, #tpu.memory_space<vmem>>
    tpu.enqueue_dma source(%dma_start3A_246 : memref<64x768xf32, #tpu.memory_space<vmem>>) target(%dma_start3A_242 : memref<64x768xf32, #tpu.memory_space<hbm>>) target_semaphore(%dma_start3A_240 : memref<!tpu.dma_semaphore, #tpu.memory_space<semaphore_mem>>)
    %dma_wait3A_247 = arith.constant 1 : i32
    %dma_wait3A_248 = arith.constant 2 : i32
    %dma_wait3A_249 = arith.constant 0 : i32
    %dma_wait3A_250 = arith.constant 0 : i32
    %dma_wait3A_251 = tpu.memref_slice %arg6[%dma_wait3A_247, %dma_wait3A_249, %dma_wait3A_250] : memref<2x64x768xf32, #tpu.memory_space<vmem>> -> memref<1x64x768xf32, #tpu.memory_space<vmem>>
    %dma_wait3A_252 = tpu.memref_squeeze %dma_wait3A_251 : memref<1x64x768xf32, #tpu.memory_space<vmem>> -> memref<64x768xf32, #tpu.memory_space<vmem>>
    %dma_wait3A_253 = arith.constant 0 : i32
    %dma_wait3A_254 = tpu.memref_slice %arg4[%add3A_230, %dma_wait3A_253] : memref<8192x768xf32, #tpu.memory_space<hbm>> -> memref<64x768xf32, #tpu.memory_space<hbm>>
    %dma_wait3A_255 = tpu.memref_slice %arg7[%dma_wait3A_248] : memref<3x!tpu.dma_semaphore, #tpu.memory_space<semaphore_mem>> -> memref<1x!tpu.dma_semaphore, #tpu.memory_space<semaphore_mem>>
    %dma_wait3A_256 = tpu.memref_squeeze %dma_wait3A_255 : memref<1x!tpu.dma_semaphore, #tpu.memory_space<semaphore_mem>> -> memref<!tpu.dma_semaphore, #tpu.memory_space<semaphore_mem>>
    %dma_wait3A_257 = arith.constant 0 : i32
    %dma_wait3A_258 = tpu.memref_slice %arg4[%add3A_230, %dma_wait3A_257] : memref<8192x768xf32, #tpu.memory_space<hbm>> -> memref<64x768xf32, #tpu.memory_space<hbm>>
    %dma_wait3A_259 = arith.constant 0 : i32
    %dma_wait3A_260 = arith.constant 0 : i32
    %dma_wait3A_261 = tpu.memref_slice %arg6[%dma_wait3A_247, %dma_wait3A_259, %dma_wait3A_260] : memref<2x64x768xf32, #tpu.memory_space<vmem>> -> memref<1x64x768xf32, #tpu.memory_space<vmem>>
    %dma_wait3A_262 = tpu.memref_squeeze %dma_wait3A_261 : memref<1x64x768xf32, #tpu.memory_space<vmem>> -> memref<64x768xf32, #tpu.memory_space<vmem>>
    tpu.wait_dma2 semaphore(%dma_wait3A_256 : memref<!tpu.dma_semaphore, #tpu.memory_space<semaphore_mem>>) src(%dma_wait3A_262 : memref<64x768xf32, #tpu.memory_space<vmem>>) dst(%dma_wait3A_258 : memref<64x768xf32, #tpu.memory_space<hbm>>)
    return
  }
}

module attributes {stable_mosaic.version = 14 : i64} {
  func.func @_router_body(%arg0: i32, %arg1: memref<1024x768xf32, #tpu.memory_space<vmem>>, %arg2: memref<64x768xf32, #tpu.memory_space<vmem>>, %arg3: memref<1x1x1024xi32, #tpu.memory_space<vmem>>, %arg4: memref<1x1xf32, #tpu.memory_space<vmem>>, %arg5: memref<1x64xf32, #tpu.memory_space<vmem>>, %arg6: memref<1x64xf32, #tpu.memory_space<vmem>>, %arg7: memref<1024x1024xbf16, #tpu.memory_space<vmem>>) attributes {dimension_semantics = [#tpu.dimension_semantics<arbitrary>], iteration_bounds = array<i64: 8>, scalar_prefetch = 0 : i64, scratch_operands = 3 : i64, tpu.core_type = #tpu.core_type<tc>, window_params = [{transform_indices = @transform_0, window_bounds = array<i64: 1024, 768>}, {pipeline_mode = #tpu.pipeline_mode<synchronous>, transform_indices = @transform_1, window_bounds = array<i64: 64, 768>}, {transform_indices = @transform_2, window_bounds = array<i64: 1, 1, 1024>}, {pipeline_mode = #tpu.pipeline_mode<synchronous>, transform_indices = @transform_3, window_bounds = array<i64: 1, 1>}]} {
    %eq3A = arith.constant 0 : i32
    %eq3A_0 = arith.cmpi eq, %arg0, %eq3A : i32
    %convert_element_type3A = arith.extui %eq3A_0 : i1 to i32
    %cond3A = arith.constant 0 : i32
    %cond3A_1 = arith.cmpi ne, %convert_element_type3A, %cond3A : i32
    scf.if %cond3A_1 {
      %broadcast_in_dim3A_73 = arith.constant 0.000000e+00 : f32
      %broadcast_in_dim3A_74 = vector.broadcast %broadcast_in_dim3A_73 : f32 to vector<1x64xf32>
      %swap3A_75 = arith.constant 0 : index
      %swap3A_76 = arith.constant 0 : index
      %swap3A_77 = vector.load %arg5[%swap3A_75, %swap3A_76] : memref<1x64xf32, #tpu.memory_space<vmem>>, vector<1x64xf32>
      tpu.vector_store %arg5[%swap3A_75, %swap3A_76], %broadcast_in_dim3A_74 {strides = array<i32>} : memref<1x64xf32, #tpu.memory_space<vmem>>, vector<1x64xf32>,
      %broadcast_in_dim3A_78 = arith.constant 0.000000e+00 : f32
      %broadcast_in_dim3A_79 = vector.broadcast %broadcast_in_dim3A_78 : f32 to vector<1x64xf32>
      %swap3A_80 = arith.constant 0 : index
      %swap3A_81 = arith.constant 0 : index
      %swap3A_82 = vector.load %arg6[%swap3A_80, %swap3A_81] : memref<1x64xf32, #tpu.memory_space<vmem>>, vector<1x64xf32>
      tpu.vector_store %arg6[%swap3A_80, %swap3A_81], %broadcast_in_dim3A_79 {strides = array<i32>} : memref<1x64xf32, #tpu.memory_space<vmem>>, vector<1x64xf32>,
      %iota3A_83 = tpu.iota {dimensions = array<i32: 0>} : vector<1024x1024xi32>
      %iota3A_84 = tpu.iota {dimensions = array<i32: 1>} : vector<1024x1024xi32>
      %ge3A_85 = arith.cmpi sge, %iota3A_83, %iota3A_84 : vector<1024x1024xi32>
      %convert_element_type3A_86 = arith.extui %ge3A_85 : vector<1024x1024xi1> to vector<1024x1024xi32>
      %convert_element_type3A_87 = arith.sitofp %convert_element_type3A_86 : vector<1024x1024xi32> to vector<1024x1024xf32>
      %convert_element_type3A_88 = arith.truncf %convert_element_type3A_87 : vector<1024x1024xf32> to vector<1024x1024xbf16>
      %swap3A_89 = arith.constant 0 : index
      %swap3A_90 = arith.constant 0 : index
      %swap3A_91 = vector.load %arg7[%swap3A_89, %swap3A_90] : memref<1024x1024xbf16, #tpu.memory_space<vmem>>, vector<1024x1024xbf16>
      tpu.vector_store %arg7[%swap3A_89, %swap3A_90], %convert_element_type3A_88 {strides = array<i32>} : memref<1024x1024xbf16, #tpu.memory_space<vmem>>, vector<1024x1024xbf16>,
    } else {
    }
    %get3A = arith.constant 0 : index
    %get3A_2 = arith.constant 0 : index
    %get3A_3 = vector.load %arg1[%get3A, %get3A_2] : memref<1024x768xf32, #tpu.memory_space<vmem>>, vector<1024x768xf32>
    %get3A_4 = arith.constant 0 : index
    %get3A_5 = arith.constant 0 : index
    %get3A_6 = vector.load %arg2[%get3A_4, %get3A_5] : memref<64x768xf32, #tpu.memory_space<vmem>>, vector<64x768xf32>
    %dot_general3A = arith.constant dense<0.000000e+00> : vector<1024x64xf32>
    %dot_general3A_7 = tpu.matmul %get3A_3, %get3A_6, %dot_general3A {dimension_numbers = #tpu.dot_dimension_numbers<[1], [1], [0], [0], [0, 0, 1, 0], [], []>, transpose_lhs_hint = false} : vector<1024x768xf32>, vector<64x768xf32>, vector<1024x64xf32> -> vector<1024x64xf32>
    %reduce_max3A = arith.constant dense<0xFF800000> : vector<1024xf32>
    %reduce_max3A_8 = vector.multi_reduction <maximumf>, %dot_general3A_7, %reduce_max3A [1] : vector<1024x64xf32> to vector<1024xf32>
    %broadcast_in_dim3A = vector.shape_cast %reduce_max3A_8 : vector<1024xf32> to vector<1024x1xf32>
    %sub3A = vector.broadcast %broadcast_in_dim3A : vector<1024x1xf32> to vector<1024x64xf32>
    %sub3A_9 = arith.subf %dot_general3A_7, %sub3A : vector<1024x64xf32>
    %exp3A = math.exp %sub3A_9 : vector<1024x64xf32>
    %reduce_sum3A = arith.constant dense<0.000000e+00> : vector<1024xf32>
    %reduce_sum3A_10 = vector.multi_reduction <add>, %exp3A, %reduce_sum3A [1] : vector<1024x64xf32> to vector<1024xf32>
    %broadcast_in_dim3A_11 = vector.shape_cast %reduce_sum3A_10 : vector<1024xf32> to vector<1024x1xf32>
    %div3A = vector.broadcast %broadcast_in_dim3A_11 : vector<1024x1xf32> to vector<1024x64xf32>
    %div3A_12 = arith.divf %exp3A, %div3A : vector<1024x64xf32>
    %iota3A = tpu.iota {dimensions = array<i32: 1>} : vector<1024x64xi32>
    %reduce_max3A_13 = arith.constant dense<0xFF800000> : vector<1024xf32>
    %reduce_max3A_14 = vector.multi_reduction <maximumf>, %div3A_12, %reduce_max3A_13 [1] : vector<1024x64xf32> to vector<1024xf32>
    %broadcast_in_dim3A_15 = vector.shape_cast %reduce_max3A_14 : vector<1024xf32> to vector<1024x1xf32>
    %ge3A = vector.broadcast %broadcast_in_dim3A_15 : vector<1024x1xf32> to vector<1024x64xf32>
    %ge3A_16 = arith.cmpf oge, %div3A_12, %ge3A : vector<1024x64xf32>
    %jit3A = arith.constant 64 : i32
    %broadcast_in_dim3A_17 = vector.broadcast %jit3A : i32 to vector<1024x64xi32>
    %select_n3A = arith.select %ge3A_16, %iota3A, %broadcast_in_dim3A_17 : vector<1024x64xi1>, vector<1024x64xi32>
    %reduce_min3A = arith.constant dense<2147483647> : vector<1024xi32>
    %reduce_min3A_18 = vector.multi_reduction <minsi>, %select_n3A, %reduce_min3A [1] : vector<1024x64xi32> to vector<1024xi32>
    %broadcast_in_dim3A_19 = vector.shape_cast %reduce_min3A_18 : vector<1024xi32> to vector<1024x1xi32>
    %eq3A_20 = vector.broadcast %broadcast_in_dim3A_19 : vector<1024x1xi32> to vector<1024x64xi32>
    %eq3A_21 = arith.cmpi eq, %iota3A, %eq3A_20 : vector<1024x64xi32>
    %convert_element_type3A_22 = arith.extui %eq3A_21 : vector<1024x64xi1> to vector<1024x64xi32>
    %convert_element_type3A_23 = arith.sitofp %convert_element_type3A_22 : vector<1024x64xi32> to vector<1024x64xf32>
    %get3A_24 = arith.constant 0 : index
    %get3A_25 = arith.constant 0 : index
    %get3A_26 = vector.load %arg7[%get3A_24, %get3A_25] : memref<1024x1024xbf16, #tpu.memory_space<vmem>>, vector<1024x1024xbf16>
    %convert_element_type3A_27 = arith.truncf %convert_element_type3A_23 : vector<1024x64xf32> to vector<1024x64xbf16>
    %dot_general3A_28 = arith.constant dense<0.000000e+00> : vector<1024x64xf32>
    %dot_general3A_29 = tpu.matmul %get3A_26, %convert_element_type3A_27, %dot_general3A_28 {dimension_numbers = #tpu.dot_dimension_numbers<[1], [0], [0], [1], [0, 0, 1, 1], [], []>, transpose_lhs_hint = false} : vector<1024x1024xbf16>, vector<1024x64xbf16>, vector<1024x64xf32> -> vector<1024x64xf32>
    %get3A_30 = arith.constant 0 : index
    %get3A_31 = arith.constant 0 : index
    %get3A_32 = vector.load %arg5[%get3A_30, %get3A_31] : memref<1x64xf32, #tpu.memory_space<vmem>>, vector<1x64xf32>
    %sub3A_33 = arith.constant 1.000000e+00 : f32
    %sub3A_34 = vector.broadcast %sub3A_33 : f32 to vector<1024x64xf32>
    %sub3A_35 = arith.subf %dot_general3A_29, %sub3A_34 : vector<1024x64xf32>
    %add3A = vector.broadcast %get3A_32 : vector<1x64xf32> to vector<1024x64xf32>
    %add3A_36 = arith.addf %sub3A_35, %add3A : vector<1024x64xf32>
    %mul3A = arith.mulf %convert_element_type3A_23, %add3A_36 : vector<1024x64xf32>
    %reduce_sum3A_37 = arith.constant dense<0.000000e+00> : vector<1024xf32>
    %reduce_sum3A_38 = vector.multi_reduction <add>, %mul3A, %reduce_sum3A_37 [1] : vector<1024x64xf32> to vector<1024xf32>
    %convert_element_type3A_39 = arith.fptosi %reduce_sum3A_38 : vector<1024xf32> to vector<1024xi32>
    %lt3A = arith.constant 160 : i32
    %lt3A_40 = vector.broadcast %lt3A : i32 to vector<1024xi32>
    %lt3A_41 = arith.cmpi slt, %convert_element_type3A_39, %lt3A_40 : vector<1024xi32>
    %mul3A_42 = arith.constant 168 : i32
    %mul3A_43 = vector.broadcast %mul3A_42 : i32 to vector<1024xi32>
    %mul3A_44 = arith.muli %reduce_min3A_18, %mul3A_43 : vector<1024xi32>
    %add3A_45 = arith.addi %mul3A_44, %convert_element_type3A_39 : vector<1024xi32>
    %jit3A_46 = arith.constant 160 : i32
    %broadcast_in_dim3A_47 = vector.broadcast %jit3A_46 : i32 to vector<1024xi32>
    %select_n3A_48 = arith.select %lt3A_41, %add3A_45, %broadcast_in_dim3A_47 : vector<1024xi1>, vector<1024xi32>
    %swap3A = arith.constant 0 : index
    %swap3A_49 = arith.constant 0 : index
    %swap3A_50 = arith.constant 0 : index
    %swap3A_51 = vector.load %arg3[%swap3A, %swap3A_49, %swap3A_50] : memref<1x1x1024xi32, #tpu.memory_space<vmem>>, vector<1x1x1024xi32>
    %swap3A_52 = vector.shape_cast %swap3A_51 : vector<1x1x1024xi32> to vector<1024xi32>
    %swap3A_53 = vector.shape_cast %select_n3A_48 : vector<1024xi32> to vector<1x1x1024xi32>
    tpu.vector_store %arg3[%swap3A, %swap3A_49, %swap3A_50], %swap3A_53 {strides = array<i32>} : memref<1x1x1024xi32, #tpu.memory_space<vmem>>, vector<1x1x1024xi32>,
    %slice3A = vector.extract_strided_slice %dot_general3A_29 {offsets = [1023, 0], sizes = [1, 64], strides = [1, 1]} : vector<1024x64xf32> to vector<1x64xf32>
    %add3A_54 = arith.addf %get3A_32, %slice3A : vector<1x64xf32>
    %swap3A_55 = arith.constant 0 : index
    %swap3A_56 = arith.constant 0 : index
    %swap3A_57 = vector.load %arg5[%swap3A_55, %swap3A_56] : memref<1x64xf32, #tpu.memory_space<vmem>>, vector<1x64xf32>
    tpu.vector_store %arg5[%swap3A_55, %swap3A_56], %add3A_54 {strides = array<i32>} : memref<1x64xf32, #tpu.memory_space<vmem>>, vector<1x64xf32>,
    %get3A_58 = arith.constant 0 : index
    %get3A_59 = arith.constant 0 : index
    %get3A_60 = vector.load %arg6[%get3A_58, %get3A_59] : memref<1x64xf32, #tpu.memory_space<vmem>>, vector<1x64xf32>
    %reduce_sum3A_61 = arith.constant dense<0.000000e+00> : vector<64xf32>
    %reduce_sum3A_62 = vector.multi_reduction <add>, %div3A_12, %reduce_sum3A_61 [0] : vector<1024x64xf32> to vector<64xf32>
    %broadcast_in_dim3A_63 = vector.shape_cast %reduce_sum3A_62 : vector<64xf32> to vector<1x64xf32>
    %add3A_64 = arith.addf %get3A_60, %broadcast_in_dim3A_63 : vector<1x64xf32>
    %swap3A_65 = arith.constant 0 : index
    %swap3A_66 = arith.constant 0 : index
    %swap3A_67 = vector.load %arg6[%swap3A_65, %swap3A_66] : memref<1x64xf32, #tpu.memory_space<vmem>>, vector<1x64xf32>
    tpu.vector_store %arg6[%swap3A_65, %swap3A_66], %add3A_64 {strides = array<i32>} : memref<1x64xf32, #tpu.memory_space<vmem>>, vector<1x64xf32>,
    %eq3A_68 = arith.constant 7 : i32
    %eq3A_69 = arith.cmpi eq, %arg0, %eq3A_68 : i32
    %convert_element_type3A_70 = arith.extui %eq3A_69 : i1 to i32
    %cond3A_71 = arith.constant 0 : i32
    %cond3A_72 = arith.cmpi ne, %convert_element_type3A_70, %cond3A_71 : i32
    scf.if %cond3A_72 {
      %get3A_73 = arith.constant 0 : index
      %get3A_74 = arith.constant 0 : index
      %get3A_75 = vector.load %arg5[%get3A_73, %get3A_74] : memref<1x64xf32, #tpu.memory_space<vmem>>, vector<1x64xf32>
      %div3A_76 = arith.constant 8.192000e+03 : f32
      %div3A_77 = vector.broadcast %div3A_76 : f32 to vector<1x64xf32>
      %div3A_78 = arith.divf %get3A_75, %div3A_77 : vector<1x64xf32>
      %get3A_79 = arith.constant 0 : index
      %get3A_80 = arith.constant 0 : index
      %get3A_81 = vector.load %arg6[%get3A_79, %get3A_80] : memref<1x64xf32, #tpu.memory_space<vmem>>, vector<1x64xf32>
      %div3A_82 = arith.constant 8.192000e+03 : f32
      %div3A_83 = vector.broadcast %div3A_82 : f32 to vector<1x64xf32>
      %div3A_84 = arith.divf %get3A_81, %div3A_83 : vector<1x64xf32>
      %mul3A_85 = arith.mulf %div3A_78, %div3A_84 : vector<1x64xf32>
      %reduce_sum3A_86 = vector.shape_cast %mul3A_85 : vector<1x64xf32> to vector<1x1x64xf32>
      %reduce_sum3A_87 = arith.constant dense<0.000000e+00> : vector<1xf32>
      %reduce_sum3A_88 = vector.multi_reduction <add>, %reduce_sum3A_86, %reduce_sum3A_87 [1, 2] : vector<1x1x64xf32> to vector<1xf32>
      %reduce_sum3A_89 = vector.shape_cast %reduce_sum3A_88 : vector<1xf32> to vector<1x1x1xf32>
      %reduce_sum3A_90 = vector.extract %reduce_sum3A_89[0, 0, 0] : f32 from vector<1x1x1xf32>
      %mul3A_91 = arith.constant 6.400000e+01 : f32
      %mul3A_92 = arith.mulf %mul3A_91, %reduce_sum3A_90 : f32
      %reshape3A = vector.broadcast %mul3A_92 : f32 to vector<1x1xf32>
      %swap3A_93 = arith.constant 0 : index
      %swap3A_94 = arith.constant 0 : index
      %swap3A_95 = vector.load %arg4[%swap3A_93, %swap3A_94] : memref<1x1xf32, #tpu.memory_space<vmem>>, vector<1x1xf32>
      tpu.vector_store %arg4[%swap3A_93, %swap3A_94], %reshape3A {strides = array<i32>} : memref<1x1xf32, #tpu.memory_space<vmem>>, vector<1x1xf32>,
    } else {
    }
    return
  }
  func.func @transform_0(%arg0: i32) -> (i32, i32) {
    %c0_i32 = arith.constant 0 : i32
    %c0_i32_0 = arith.constant 0 : i32
    return %arg0, %c0_i32 : i32, i32
  }
  func.func @transform_1(%arg0: i32) -> (i32, i32) {
    %c0_i32 = arith.constant 0 : i32
    %c0_i32_0 = arith.constant 0 : i32
    %c0_i32_1 = arith.constant 0 : i32
    return %c0_i32, %c0_i32_0 : i32, i32
  }
  func.func @transform_2(%arg0: i32) -> (i32, i32, i32) {
    %c0_i32 = arith.constant 0 : i32
    %c0_i32_0 = arith.constant 0 : i32
    %c0_i32_1 = arith.constant 0 : i32
    return %arg0, %c0_i32, %c0_i32_0 : i32, i32, i32
  }
  func.func @transform_3(%arg0: i32) -> (i32, i32) {
    %c0_i32 = arith.constant 0 : i32
    %c0_i32_0 = arith.constant 0 : i32
    %c0_i32_1 = arith.constant 0 : i32
    return %c0_i32, %c0_i32_0 : i32, i32
  }
}

module attributes {stable_mosaic.version = 14 : i64} {
  func.func @_ffn_body(%arg0: i32, %arg1: memref<168x768xf32, #tpu.memory_space<vmem>>, %arg2: memref<1x1024x768xf32, #tpu.memory_space<vmem>>, %arg3: memref<1x1024x768xf32, #tpu.memory_space<vmem>>, %arg4: memref<1x768x1024xf32, #tpu.memory_space<vmem>>, %arg5: memref<168x768xf32, #tpu.memory_space<vmem>>) attributes {dimension_semantics = [#tpu.dimension_semantics<arbitrary>], iteration_bounds = array<i64: 64>, scalar_prefetch = 0 : i64, scratch_operands = 0 : i64, tpu.core_type = #tpu.core_type<tc>, window_params = [{transform_indices = @transform_0, window_bounds = array<i64: 168, 768>}, {transform_indices = @transform_1, window_bounds = array<i64: 1, 1024, 768>}, {transform_indices = @transform_2, window_bounds = array<i64: 1, 1024, 768>}, {transform_indices = @transform_3, window_bounds = array<i64: 1, 768, 1024>}, {transform_indices = @transform_4, window_bounds = array<i64: 168, 768>}]} {
    %get3A = arith.constant 0 : index
    %get3A_0 = arith.constant 0 : index
    %get3A_1 = vector.load %arg1[%get3A, %get3A_0] : memref<168x768xf32, #tpu.memory_space<vmem>>, vector<168x768xf32>
    %get3A_2 = arith.constant 0 : index
    %get3A_3 = arith.constant 0 : index
    %get3A_4 = arith.constant 0 : index
    %get3A_5 = vector.load %arg2[%get3A_2, %get3A_3, %get3A_4] : memref<1x1024x768xf32, #tpu.memory_space<vmem>>, vector<1x1024x768xf32>
    %get3A_6 = vector.shape_cast %get3A_5 : vector<1x1024x768xf32> to vector<1024x768xf32>
    %dot_general3A = arith.constant dense<0.000000e+00> : vector<168x1024xf32>
    %dot_general3A_7 = tpu.matmul %get3A_1, %get3A_6, %dot_general3A {dimension_numbers = #tpu.dot_dimension_numbers<[1], [1], [0], [0], [0, 0, 1, 0], [], []>, transpose_lhs_hint = false} : vector<168x768xf32>, vector<1024x768xf32>, vector<168x1024xf32> -> vector<168x1024xf32>
    %get3A_8 = arith.constant 0 : index
    %get3A_9 = arith.constant 0 : index
    %get3A_10 = arith.constant 0 : index
    %get3A_11 = vector.load %arg3[%get3A_8, %get3A_9, %get3A_10] : memref<1x1024x768xf32, #tpu.memory_space<vmem>>, vector<1x1024x768xf32>
    %get3A_12 = vector.shape_cast %get3A_11 : vector<1x1024x768xf32> to vector<1024x768xf32>
    %dot_general3A_13 = arith.constant dense<0.000000e+00> : vector<168x1024xf32>
    %dot_general3A_14 = tpu.matmul %get3A_1, %get3A_12, %dot_general3A_13 {dimension_numbers = #tpu.dot_dimension_numbers<[1], [1], [0], [0], [0, 0, 1, 0], [], []>, transpose_lhs_hint = false} : vector<168x768xf32>, vector<1024x768xf32>, vector<168x1024xf32> -> vector<168x1024xf32>
    %logistic3A = arith.negf %dot_general3A_7 : vector<168x1024xf32>
    %logistic3A_15 = math.exp %logistic3A : vector<168x1024xf32>
    %logistic3A_16 = arith.constant 1.000000e+00 : f32
    %logistic3A_17 = vector.broadcast %logistic3A_16 : f32 to vector<168x1024xf32>
    %logistic3A_18 = arith.addf %logistic3A_17, %logistic3A_15 : vector<168x1024xf32>
    %logistic3A_19 = arith.divf %logistic3A_17, %logistic3A_18 : vector<168x1024xf32>
    %mul3A = arith.mulf %dot_general3A_7, %logistic3A_19 : vector<168x1024xf32>
    %mul3A_20 = arith.mulf %mul3A, %dot_general3A_14 : vector<168x1024xf32>
    %get3A_21 = arith.constant 0 : index
    %get3A_22 = arith.constant 0 : index
    %get3A_23 = arith.constant 0 : index
    %get3A_24 = vector.load %arg4[%get3A_21, %get3A_22, %get3A_23] : memref<1x768x1024xf32, #tpu.memory_space<vmem>>, vector<1x768x1024xf32>
    %get3A_25 = vector.shape_cast %get3A_24 : vector<1x768x1024xf32> to vector<768x1024xf32>
    %dot_general3A_26 = arith.constant dense<0.000000e+00> : vector<168x768xf32>
    %dot_general3A_27 = tpu.matmul %mul3A_20, %get3A_25, %dot_general3A_26 {dimension_numbers = #tpu.dot_dimension_numbers<[1], [1], [0], [0], [0, 0, 1, 0], [], []>, transpose_lhs_hint = false} : vector<168x1024xf32>, vector<768x1024xf32>, vector<168x768xf32> -> vector<168x768xf32>
    %iota3A = tpu.iota {dimensions = array<i32: 0>} : vector<168x768xi32>
    %lt3A = arith.constant 160 : i32
    %lt3A_28 = vector.broadcast %lt3A : i32 to vector<168x768xi32>
    %lt3A_29 = arith.cmpi slt, %iota3A, %lt3A_28 : vector<168x768xi32>
    %jit3A = arith.constant 0.000000e+00 : f32
    %broadcast_in_dim3A = vector.broadcast %jit3A : f32 to vector<168x768xf32>
    %select_n3A = arith.select %lt3A_29, %dot_general3A_27, %broadcast_in_dim3A : vector<168x768xi1>, vector<168x768xf32>
    %swap3A = arith.constant 0 : index
    %swap3A_30 = arith.constant 0 : index
    %swap3A_31 = vector.load %arg5[%swap3A, %swap3A_30] : memref<168x768xf32, #tpu.memory_space<vmem>>, vector<168x768xf32>
    tpu.vector_store %arg5[%swap3A, %swap3A_30], %select_n3A {strides = array<i32>} : memref<168x768xf32, #tpu.memory_space<vmem>>, vector<168x768xf32>,
    return
  }
  func.func @transform_0(%arg0: i32) -> (i32, i32) {
    %c0_i32 = arith.constant 0 : i32
    %c0_i32_0 = arith.constant 0 : i32
    return %arg0, %c0_i32 : i32, i32
  }
  func.func @transform_1(%arg0: i32) -> (i32, i32, i32) {
    %c0_i32 = arith.constant 0 : i32
    %c0_i32_0 = arith.constant 0 : i32
    %c0_i32_1 = arith.constant 0 : i32
    return %arg0, %c0_i32, %c0_i32_0 : i32, i32, i32
  }
  func.func @transform_2(%arg0: i32) -> (i32, i32, i32) {
    %c0_i32 = arith.constant 0 : i32
    %c0_i32_0 = arith.constant 0 : i32
    %c0_i32_1 = arith.constant 0 : i32
    return %arg0, %c0_i32, %c0_i32_0 : i32, i32, i32
  }
  func.func @transform_3(%arg0: i32) -> (i32, i32, i32) {
    %c0_i32 = arith.constant 0 : i32
    %c0_i32_0 = arith.constant 0 : i32
    %c0_i32_1 = arith.constant 0 : i32
    return %arg0, %c0_i32, %c0_i32_0 : i32, i32, i32
  }
  func.func @transform_4(%arg0: i32) -> (i32, i32) {
    %c0_i32 = arith.constant 0 : i32
    %c0_i32_0 = arith.constant 0 : i32
    return %arg0, %c0_i32 : i32, i32
  }
}

</mosaic_0001>

<sc_bundles>
// kernel: kernel.6.cloned.1.call-start
scs
__scs_entry_jumppad:
0x0: {  	(pc) =	sbr.rel $0x88, $3  }
0x1: {  	(tag) =	ssettag $0x0;
	lr =	simm.s32 $0x1  }
0x2: {  	[smem:$0x3F9C] =	sst lr;
	_ =	strace $0xD0000000  }
0x3: {  	_ = 	snop  }
0x4: {  	_ = 	snop  }
0x5: {  	_ = 	snop  }
0x6: {  	_ = 	snop  }
0x7: {  	_ = 	snop  }
__scs_overlays_trampoline_lowered:
0x8: {  	[smem:$0x3FAB] =	sst s0  }
0x9: {  	[smem:$0x3FAC] =	sst s1  }
0xa: {  	[smem:$0x3FAD] =	sst s2  }
0xb: {  	[smem:$0x3FAE] =	sst s3  }
0xc: {  	[smem:$0x3FAF] =	sst s4  }
0xd: {  	[smem:$0x3FB0] =	sst s5  }
0xe: {  	[smem:$0x3FB1] =	sst s6  }
0xf: {  	[smem:$0x3FB2] =	sst s7  }
0x10: {  	[smem:$0x3FB3] =	sst s8  }
0x11: {  	[smem:$0x3FB4] =	sst s9;
	s0 =	simm.s32 @!p0 $0x0  }
0x12: {  	s1 =	sld [smem:$0x3F9A];
	s0 =	simm.s32 @p0 $0x1  }
0x13: {  	[smem:$0x3FB5] =	sst s0;
	s0 =	simm.s32 @!p1 $0x0  }
0x14: {  	s2 =	sld [smem:$0x3F99];
	s0 =	simm.s32 @p1 $0x1  }
0x15: {  	[smem:$0x3FB6] =	sst s0;
	s0 =	simm.s32 @!p2 $0x0  }
0x16: {  	s3 =	sld [smem:$0x3FDB];
	s0 =	simm.s32 @p2 $0x1  }
0x17: {  	s4 =	simm.s32 $0x1BF5;
	[smem:$0x3FB8] =	sst s0  }
0x18: {  	s0 =	sld [smem:$0x3F9B];
	_ =	swait.ge [sflag:s4], $0x0  }
0x19: {  	s7 =	sld [smem:$0x3F9C]  }
0x1a: {  	s8 =	sadd.s32 $0xFFFFE003, lr  }
0x1b: {  	s9 =	sadd.s32 $0xFFFFFEF7, lr;
	s5 =	simm.s32 $0xFFFFFFFF;
	p2 =	slt.u32 s8, $0xFFFFF086  }
0x1c: {  	p1 =	slt.u32 s9, $0xF7A;
	s5 =	simm.s32 @!p2 $0x0  }
0x1d: {  	s5 =	simm.s32 @p1 $0x1;
	p0 =	seq.s32 s7, s2  }
0x1e: {  	s7 =	smul.u32 @!p0 $0xF7A, s2;
	p2 =	seq.s32 @!p0 s5, $0x0  }
0x1f: {  	s9 =	smul.u32 $0xF7A, s1;
	s8 =	simm.s32 @!p0 $0x1BF5;
	p2 =	por !p2, p0  }
0x20: {  	[sflag:s8] =	ssyncset.s32 @!p0 $0xFFFFF086;
	s6 =	sadd.s32 @!p0 s3, s7;
	s7 =	simm.s32 @!p0 $0x108  }
0x21: {  	s3 =	sadd.s32 s3, s9;
	s6 =	sadd.s32 @!p0 $0x88, s6;
	s7 =	simm.s32 @p2 $0x1082  }
0x22: {  	[simem:s7], [sflag:s8] =	dma.local @!p0 [hbm:s6], $0xF7A  }
0x23: {  	s9 =	sor.u32 $0xD0000000, s2;
	s6 =	simm.s32 $0x108;
	_ =	swait.ge @!p0 [sflag:s8], $0x0  }
0x24: {  	s3 =	sadd.s32 $0x88, s3;
	s6 =	simm.s32 @!p1 $0x1082;
	[sflag:s4] =	ssyncset.s32 $0xFFFFF086  }
0x25: {  	[simem:s6], [sflag:s4] =	dma.local [hbm:s3], $0xF7A  }
0x26: {  	[smem:$0x3F9C] =	sst s1;
	(tag) =	ssettag s2;
	_ =	strace s9  }
0x27: {  	s1 =	sld [smem:$0x3FAC]  }
0x28: {  	s2 =	sld [smem:$0x3FAD]  }
0x29: {  	s4 =	sld [smem:$0x3FAF]  }
0x2a: {  	p0 =	seq.s32 s5, $0x0;
	s5 =	sld [smem:$0x3FB0]  }
0x2b: {  	s6 =	sld [smem:$0x3FB1]  }
0x2c: {  	s7 =	sld [smem:$0x3FB2]  }
0x2d: {  	s3 =	simm.s32 $0x108;
	s8 =	sld [smem:$0x3FB3]  }
0x2e: {  	s3 =	simm.s32 @!p0 $0x1082;
	s9 =	sld [smem:$0x3FB4]  }
0x2f: {  	lr =	sadd.s32 s0, s3;
	s0 =	sld [smem:$0x3FAB]  }
0x30: {  	s3 =	sld [smem:$0x3FAE]  }
0x31: {  	[smem:$0x3FB7] =	sst s10  }
0x32: {  	s10 =	sld [smem:$0x3FB5];
	_ =	sdelay $0x3  }
0x33: {  	p0 =	seq.s32 s10, $0x1;
	s10 =	sld [smem:$0x3FB7];
	_ =	sdelay $0x3  }
0x34: {  	[smem:$0x3FB7] =	sst s10  }
0x35: {  	s10 =	sld [smem:$0x3FB6];
	_ =	sdelay $0x3  }
0x36: {  	p1 =	seq.s32 s10, $0x1;
	s10 =	sld [smem:$0x3FB7];
	_ =	sdelay $0x3  }
0x37: {  	[smem:$0x3FB7] =	sst s10  }
0x38: {  	s10 =	sld [smem:$0x3FB8]  }
0x39: {  	_ = 	snop;
	(pc) =	sbr.ind lr, $3  }
0x3a: {  	_ = 	snop  }
0x3b: {  	_ = 	snop  }
0x3c: {  	p2 =	seq.s32 s10, $0x1;
	s10 =	sld [smem:$0x3FB7]  }
0x3d: {  	_ =	shalt  }
0x3e: {  	_ =	shalt  }
0x3f: {  	_ =	shalt  }
0x40: {  	_ =	shalt  }
0x41: {  	_ =	shalt  }
0x42: {  	_ =	shalt  }
0x43: {  	_ =	shalt  }
0x44: {  	_ =	shalt  }
0x45: {  	_ =	shalt  }
0x46: {  	_ =	shalt  }
0x47: {  	_ =	shalt  }
0x48: {  	_ =	shalt  }
0x49: {  	_ =	shalt  }
0x4a: {  	_ =	shalt  }
0x4b: {  	_ =	shalt  }
0x4c: {  	_ =	shalt  }
0x4d: {  	_ =	shalt  }
0x4e: {  	_ =	shalt  }
0x4f: {  	_ =	shalt  }
0x50: {  	_ =	shalt  }
0x51: {  	_ =	shalt  }
0x52: {  	_ =	shalt  }
0x53: {  	_ =	shalt  }
0x54: {  	_ =	shalt  }
0x55: {  	_ =	shalt  }
0x56: {  	_ =	shalt  }
0x57: {  	_ =	shalt  }
0x58: {  	_ =	shalt  }
0x59: {  	_ =	shalt  }
0x5a: {  	_ =	shalt  }
0x5b: {  	_ =	shalt  }
0x5c: {  	_ =	shalt  }
0x5d: {  	_ =	shalt  }
0x5e: {  	_ =	shalt  }
0x5f: {  	_ =	shalt  }
0x60: {  	_ =	shalt  }
0x61: {  	_ =	shalt  }
0x62: {  	_ =	shalt  }
0x63: {  	_ =	shalt  }
0x64: {  	_ =	shalt  }
0x65: {  	_ =	shalt  }
0x66: {  	_ =	shalt  }
0x67: {  	_ =	shalt  }
0x68: {  	_ =	shalt  }
0x69: {  	_ =	shalt  }
0x6a: {  	_ =	shalt  }
0x6b: {  	_ =	shalt  }
0x6c: {  	_ =	shalt  }
0x6d: {  	_ =	shalt  }
0x6e: {  	_ =	shalt  }
0x6f: {  	_ =	shalt  }
0x70: {  	_ =	shalt  }
0x71: {  	_ =	shalt  }
0x72: {  	_ =	shalt  }
0x73: {  	_ =	shalt  }
0x74: {  	_ =	shalt  }
0x75: {  	_ =	shalt  }
0x76: {  	_ =	shalt  }
0x77: {  	_ =	shalt  }
0x78: {  	_ =	shalt  }
0x79: {  	_ =	shalt  }
0x7a: {  	_ =	shalt  }
0x7b: {  	_ =	shalt  }
0x7c: {  	_ =	shalt  }
0x7d: {  	_ =	shalt  }
0x7e: {  	_ =	shalt  }
0x7f: {  	_ =	shalt  }
0x80: {  	_ =	shalt  }
0x81: {  	_ =	shalt  }
0x82: {  	_ =	shalt  }
0x83: {  	_ =	shalt  }
0x84: {  	_ =	shalt  }
0x85: {  	_ =	shalt  }
0x86: {  	_ =	shalt  }
0x87: {  	_ =	shalt  }
.Lfunc_end0:
.L_simem_size_0:
called_computation_lowered:
.L_overlay_start_0:
0x88: {  	s2 =	sld [smem:$0x3FD9]  }
0x89: {  	s3 =	sld [smem:$0x3FFE];
	_ =	sdelay $0x1  }
0x8a: {  	s1 =	srdreg.scid  }
0x8b: {  	s0 =	sand.u32 $0x1, s1  }
0x8c: {  	s17 =	sshll.u32 s0, $0xA;
	s2 =	sadd.s32 s3, s2  }
0x8d: {  	s2 =	sadd.s32 s2, s17  }
0x8e: {  	[smem:$0x3FC3] =	sst s2  }
0x8f: {  	_ = 	snop  }
0x90: {  	s2 =	sld [smem:$0x3FC9];
	(tm) =	ssettm $0x1  }
0x91: {  	s18 =	sld [smem:$0x3FFB];
	_ =	sdelay $0x3  }
0x92: {  	_ =	strace s18  }
0x93: {  	s3 =	sld [smem:$0x3FFC];
	_ =	sdelay $0x3  }
0x94: {  	_ =	strace s3  }
0x95: {  	s3 =	sld [smem:$0x3FFD];
	_ =	sdelay $0x3  }
0x96: {  	_ =	strace s3  }
0x97: {  	_ =	strace $0x8FFFFFFF  }
0x98: {  	s19 =	sld [smem:$0x3FDB];
	_ =	sdelay $0x1  }
0x99: {  	s4 =	simm.s32 $_scs_section_size  }
0x9a: {  	s5 =	simm.s32 $_size__tile_overlayer_lowered;
	s6 =	simm.s32 $_tile_overlayer_lowered  }
0x9b: {  	s22 =	simm.s32 $0x1BFF;
	s21 =	sshll.u32 s6, $0x1;
	s3 =	sadd.s32 s4, s19  }
0x9c: {  	s7 =	simm.s32 $0x0;
	s20 =	sshll.u32 s5, $0x1;
	s5 =	sadd.s32 s21, s3  }
0x9d: {  	[timem:s7], [sflag:s22] =	dma.local [hbm:s5], s20  }
0x9e: {  	_ =	swait.ge [sflag:s22], s20  }
0x9f: {  	s4 =	ssub.s32 $0x0, s20;
	[sflag:s22] =	ssyncset.done $0x0  }
0xa0: {  	[sflag:s22] =	ssyncadd.s32 s4;
	_ =	sdelay $0x1  }
0xa1: {  	s23 =	simm.s32 $0x1B8B  }
0xa2: {  	_ =	swait.ge [sflag:s23], $0x1  }
0xa3: {  	[sflag:s23] =	ssyncset.done $0x0  }
0xa4: {  	s25 =	simm.s32 $0x1B8E;
	s24 =	sld [smem:$0x3FFE];
	[sflag:s23] =	ssyncadd.s32 $0xFFFFFFFF  }
0xa5: {  	s26 =	simm.s32 $execute0_lowered;
	[smem:$0x3FD2] =	sst s25  }
0xa6: {  	s5 =	sshll.u32 s26, $0x1;
	_ =	strace $0x80000046;
	[dreg:$0x1] =	wrdreg $0xFFFFFFFF  }
0xa7: {  	s28 =	simm.s32 $_size_execute0_lowered;
	s3 =	sadd.s32 s3, s5;
	[dreg:$0x0] =	wrdreg $0x0  }
0xa8: {  	s5 =	sshll.u32 s28, $0x1;
	[dreg:$0x2] =	wrdreg s3  }
0xa9: {  	[dreg:$0x3] =	wrdreg s5  }
0xaa: {  	[dreg:$0x4] =	wrdreg $0xC0  }
0xab: {  	_ =	task [dreg:s7], $0x5FFFF  }
0xac: {  	[dreg:$0x1] =	wrdreg $0xFFFFFFFF  }
0xad: {  	[dreg:$0x0] =	wrdreg $0x60  }
0xae: {  	[dreg:$0x2] =	wrdreg s2  }
0xaf: {  	[dreg:$0x3] =	wrdreg s24  }
0xb0: {  	[dreg:$0x4] =	wrdreg $0x9  }
0xb1: {  	_ =	task.clear_ibuf [dreg:s7], $0x5FFFF;
	_ =	strace $0x90000046  }
0xb2: {  	s29 =	simm.s32 $0x9;
	_ =	strace $0x80000048  }
0xb3: {  	_ =	swait.ge [sflag:s29], $0x1  }
0xb4: {  	[sflag:s29] =	ssyncadd.s32 $0xFFFFFFFF  }
0xb5: {  	_ =	strace $0x90000048  }
0xb6: {  	_ =	sfence  }
0xb7: {  	s30 =	sld [smem:$0x0];
	_ =	sdelay $0x2  }
0xb8: {  	s31 =	sshll.u32 s1, $0xD;
	s1 =	sshrl.u32 s1, $0x2  }
0xb9: {  	s3 =	sand.u32 $0x4000, s31;
	s1 =	sadd.s32 s1, s30  }
0xba: {  	s0 =	sor.u32 s3, s0;
	s1 =	sshll.u32 s1, $0x11  }
0xbb: {  	s0 =	sor.u32 s1, s0  }
0xbc: {  	s0 =	sadd.s32 $0x8F2B, s0  }
0xbd: {  	[sflag:s0] =	ssyncadd.remote.s32 $0x1  }
0xbe: {  	_ =	sfence.sel $0xFFFF  }
0xbf: {  	[dreg:$0x0] =	wrdreg $0xFFFFFFFF;
	(pc) =	sbr.abs _section_cstart, $3  }
0xc0: {  	[dreg:$0x1] =	wrdreg $0xFFFFFFFF  }
0xc1: {  	_ =	task.clear_ibuf [dreg:s7], $0x2FFFF;
	_ =	strace $0x9FFFFFFF  }
0xc2: {  	(tm) =	ssettm $0x7FFFFFFF  }
0xc3: {  	_ =	shalt  }
tec
execute0_lowered:
.L_overlay_start_1:
0x0: {  	(tag) =	ssettag $0x1  }
0x1: {  	s0 =	rddreg [dreg:$0x0]  }
0x2: {  	s1 =	rddreg [dreg:$0x1]  }
0x3: {  	s3 =	srdreg.scid;
	s4 =	stileid.u32  }
0x4: {  	s2 =	simm.s32 $0x0;
	s13 =	simm.s32 $0x3;
	s11 =	simm.s32 $0xC200  }
0x5: {  	s14 =	simm.s32 $0x1;
	s9 =	simm.s32 $0xE200;
	s12 =	simm.s32 $0xEA00  }
0x6: {  	s15 =	simm.s32 $0xF200;
	s16 =	simm.s32 $0xFA00;
	s17 =	simm.s32 $0x10200  }
0x7: {  	s20 =	simm.s32 $0x11200;
	s21 =	simm.s32 $0x11A00;
	s22 =	simm.s32 $0x12200  }
0x8: {  	s23 =	simm.s32 $0x12A00;
	s28 =	simm.s32 $0x14A00;
	s29 =	simm.s32 $0x15200  }
0x9: {  	s30 =	simm.s32 $0x15A00;
	s3 =	sand.u32 $0x1, s3;
	s4 =	sshll.u32 s4, $0x1  }
0xa: {  	s31 =	simm.s32 $0x16200;
	[smem:$0x7FF] =	sst s2;
	s4 =	sor.u32 s3, s4  }
0xb: {  	_ =	strace $0x80000047;
	s5 =	ssub.s32 $0x2, s3;
	s3 =	sadd.s32 $0x1000, s1  }
0xc: {  	s6 =	smul.u32 $0x6000, s4;
	s24 =	sshll.u32 s4, $0x6;
	s7 =	sshrl.u32 s5, $0x1  }
0xd: {  	s4 =	smul.u32 $0x30000, s4;
	s8 =	sadd.s32 s24, s1;
	s7 =	ssub.s32 s5, s7  }
0xe: {  	s5 =	sadd.s32 $0x1100, s1;
	s24 =	simm.s32 $0x13200;
	s25 =	sadd.s32 $0x800, s8  }
0xf: {  	s6 =	sadd.s32 s0, s6;
	s4 =	sshrl.u32 s4, $0x3;
	[dreg:$0x3] =	wrdreg s25  }
0x10: {  	s7 =	smax.u32 s7, $0x1;
	s8 =	simm.s32 $0xDA00;
	[dreg:$0x7] =	wrdreg s6  }
0x11: {  	s26 =	sadd.s32 $0x1800, s6;
	s0 =	sadd.s32 s0, s4;
	s6 =	sadd.s32 $0x1200, s1  }
0x12: {  	v2 =	vlaneseq.u32;
	s1 =	simm.s32 $0xCA00;
	[dreg:$0x4] =	wrdreg s26;
	s4 =	sadd.s32 $0x3000, s0  }
0x13: {  	vm0 =	vmmov $0xffff;
	v1 =	vshrl.u32 v2, $0x3;
	s25 =	simm.s32 $0x13A00;
	s0 =	sadd.s32 $0x4800, s0;
	[dreg:$0x5] =	wrdreg s4  }
0x14: {  	v0 =	vand.u32 $0x7, v2;
	v2 =	vor.u32 $0x8, v2;
	v1 =	vmul.u32 $0x8, v1;
	s26 =	simm.s32 $0x14200;
	[dreg:$0x6] =	wrdreg s0;
	s4 =	simm.s32 $0xD200  }
.LBB2_1:
0x15: {  	s18 =	rddreg [dreg:$0x3];
	s0 =	simm.s32 $0x4  }
0x16: {  	[tilespmem:s2], [sflag:$0x4] =	stream.linear.gather [hbm4b:s18+s2], $0x200, $0x38;
	[tilespmem:$0x18200] =	vst v63  }
0x17: {  	_ =	swait.ge [sflag:s0], $0x200  }
0x18: {  	[sflag:s0] =	ssyncset.done $0x0  }
0x19: {  	s10 =	simm.s32 $0x200;
	s19 =	rddreg [dreg:$0x7];
	[sflag:s0] =	ssyncadd.s32 $0xFFFFFE00  }
0x1a: {  	[tilespmem:s10], [sflag:$0x1] =	stream.linear.gather [hbm4b:s19+s2], $0xC000, $0x38;
	[tilespmem:$0x18200] =	vst v63  }
0x1b: {  	s0 =	rddreg [dreg:$0x4]  }
0x1c: {  	[tilespmem:s11], [sflag:$0x2] =	stream.linear.gather [hbm4b:s0+s2], $0xC000, $0x38;
	[tilespmem:$0x18200] =	vst v63  }
0x1d: {  	_ =	swait.ge [sflag:s14], $0xC000  }
0x1e: {  	[sflag:s14] =	ssyncset.done $0x0  }
0x1f: {  	[sflag:s14] =	ssyncadd.s32 $0xFFFF4000  }
0x20: {  	v3 =	vld [tilespmem:$0x0];
	_ =	sdelay $0x4  }
0x21: {  	v4 =	vshrl.u32 v3, $0x3  }
0x22: {  	v4 =	vmul.u32 $0x30, v4  }
0x23: {  	v3 =	vand.u32 $0x7, v3  }
0x24: {  	v3 =	vor.u32 v3, v4  }
0x25: {  	v4 =	vperm.xlane v3, v0;
	_ =	sdelay $0x1  }
0x26: {  	v4 =	vadd.s32 v1, v4;
	_ =	sdelay $0x3  }
0x27: {  	v3 =	vperm.xlane v3, v2  }
0x28: {  	[hbm4b:s3+s2] =	stream.indirect_vreg.scatter [tilespmem:s10], [sflag:$0x3], $0x80, v4, vm0, $0xb8;
	[tilespmem:$0x18200] =	vst v63  }
0x29: {  	s19 =	simm.s32 $0xA00;
	v3 =	vadd.s32 v1, v3  }
0x2a: {  	[hbm4b:s5+s2] =	stream.indirect_vreg.scatter [tilespmem:s19], [sflag:$0x3], $0x80, v4, vm0, $0xb8;
	[tilespmem:$0x18200] =	vst v63  }
0x2b: {  	s18 =	simm.s32 $0x1200  }
0x2c: {  	[hbm4b:s6+s2] =	stream.indirect_vreg.scatter [tilespmem:s18], [sflag:$0x3], $0x80, v4, vm0, $0xb8;
	[tilespmem:$0x18200] =	vst v63  }
0x2d: {  	s19 =	simm.s32 $0x1A00  }
0x2e: {  	[hbm4b:s3+s2] =	stream.indirect_vreg.scatter [tilespmem:s19], [sflag:$0x3], $0x80, v3, vm0, $0xb8;
	[tilespmem:$0x18200] =	vst v63  }
0x2f: {  	s18 =	simm.s32 $0x2200  }
0x30: {  	[hbm4b:s5+s2] =	stream.indirect_vreg.scatter [tilespmem:s18], [sflag:$0x3], $0x80, v3, vm0, $0xb8;
	[tilespmem:$0x18200] =	vst v63  }
0x31: {  	s19 =	simm.s32 $0x2A00  }
0x32: {  	[hbm4b:s6+s2] =	stream.indirect_vreg.scatter [tilespmem:s19], [sflag:$0x3], $0x80, v3, vm0, $0xb8;
	[tilespmem:$0x18200] =	vst v63  }
0x33: {  	v3 =	vld [tilespmem:$0x10];
	_ =	sdelay $0x4  }
0x34: {  	v49 =	vshrl.u32 v3, $0x3  }
0x35: {  	v4 =	vmul.u32 $0x30, v49  }
0x36: {  	v3 =	vand.u32 $0x7, v3  }
0x37: {  	v3 =	vor.u32 v3, v4  }
0x38: {  	v4 =	vperm.xlane v3, v0;
	_ =	sdelay $0x1  }
0x39: {  	v4 =	vadd.s32 v1, v4;
	_ =	sdelay $0x3  }
0x3a: {  	s18 =	simm.s32 $0x3200;
	v3 =	vperm.xlane v3, v2  }
0x3b: {  	[hbm4b:s3+s2] =	stream.indirect_vreg.scatter [tilespmem:s18], [sflag:$0x3], $0x80, v4, vm0, $0xb8;
	[tilespmem:$0x18200] =	vst v63  }
0x3c: {  	s19 =	simm.s32 $0x3A00;
	v3 =	vadd.s32 v1, v3  }
0x3d: {  	[hbm4b:s5+s2] =	stream.indirect_vreg.scatter [tilespmem:s19], [sflag:$0x3], $0x80, v4, vm0, $0xb8;
	[tilespmem:$0x18200] =	vst v63  }
0x3e: {  	s18 =	simm.s32 $0x4200  }
0x3f: {  	[hbm4b:s6+s2] =	stream.indirect_vreg.scatter [tilespmem:s18], [sflag:$0x3], $0x80, v4, vm0, $0xb8;
	[tilespmem:$0x18200] =	vst v63  }
0x40: {  	s19 =	simm.s32 $0x4A00  }
0x41: {  	[hbm4b:s3+s2] =	stream.indirect_vreg.scatter [tilespmem:s19], [sflag:$0x3], $0x80, v3, vm0, $0xb8;
	[tilespmem:$0x18200] =	vst v63  }
0x42: {  	s18 =	simm.s32 $0x5200  }
0x43: {  	[hbm4b:s5+s2] =	stream.indirect_vreg.scatter [tilespmem:s18], [sflag:$0x3], $0x80, v3, vm0, $0xb8;
	[tilespmem:$0x18200] =	vst v63  }
0x44: {  	s19 =	simm.s32 $0x5A00  }
0x45: {  	[hbm4b:s6+s2] =	stream.indirect_vreg.scatter [tilespmem:s19], [sflag:$0x3], $0x80, v3, vm0, $0xb8;
	[tilespmem:$0x18200] =	vst v63  }
0x46: {  	v3 =	vld [tilespmem:$0x20];
	_ =	sdelay $0x4  }
0x47: {  	v50 =	vshrl.u32 v3, $0x3  }
0x48: {  	v4 =	vmul.u32 $0x30, v50  }
0x49: {  	v3 =	vand.u32 $0x7, v3  }
0x4a: {  	v3 =	vor.u32 v3, v4  }
0x4b: {  	v4 =	vperm.xlane v3, v0;
	_ =	sdelay $0x1  }
0x4c: {  	v4 =	vadd.s32 v1, v4;
	_ =	sdelay $0x3  }
0x4d: {  	s18 =	simm.s32 $0x6200;
	v3 =	vperm.xlane v3, v2  }
0x4e: {  	[hbm4b:s3+s2] =	stream.indirect_vreg.scatter [tilespmem:s18], [sflag:$0x3], $0x80, v4, vm0, $0xb8;
	[tilespmem:$0x18200] =	vst v63  }
0x4f: {  	s19 =	simm.s32 $0x6A00;
	v3 =	vadd.s32 v1, v3  }
0x50: {  	[hbm4b:s5+s2] =	stream.indirect_vreg.scatter [tilespmem:s19], [sflag:$0x3], $0x80, v4, vm0, $0xb8;
	[tilespmem:$0x18200] =	vst v63  }
0x51: {  	s18 =	simm.s32 $0x7200  }
0x52: {  	[hbm4b:s6+s2] =	stream.indirect_vreg.scatter [tilespmem:s18], [sflag:$0x3], $0x80, v4, vm0, $0xb8;
	[tilespmem:$0x18200] =	vst v63  }
0x53: {  	s19 =	simm.s32 $0x7A00  }
0x54: {  	[hbm4b:s3+s2] =	stream.indirect_vreg.scatter [tilespmem:s19], [sflag:$0x3], $0x80, v3, vm0, $0xb8;
	[tilespmem:$0x18200] =	vst v63  }
0x55: {  	s18 =	simm.s32 $0x8200  }
0x56: {  	[hbm4b:s5+s2] =	stream.indirect_vreg.scatter [tilespmem:s18], [sflag:$0x3], $0x80, v3, vm0, $0xb8;
	[tilespmem:$0x18200] =	vst v63  }
0x57: {  	s19 =	simm.s32 $0x8A00  }
0x58: {  	[hbm4b:s6+s2] =	stream.indirect_vreg.scatter [tilespmem:s19], [sflag:$0x3], $0x80, v3, vm0, $0xb8;
	[tilespmem:$0x18200] =	vst v63  }
0x59: {  	v3 =	vld [tilespmem:$0x30];
	_ =	sdelay $0x4  }
0x5a: {  	v51 =	vshrl.u32 v3, $0x3  }
0x5b: {  	v4 =	vmul.u32 $0x30, v51  }
0x5c: {  	v3 =	vand.u32 $0x7, v3  }
0x5d: {  	v3 =	vor.u32 v3, v4  }
0x5e: {  	v4 =	vperm.xlane v3, v0;
	_ =	sdelay $0x1  }
0x5f: {  	v4 =	vadd.s32 v1, v4;
	_ =	sdelay $0x3  }
0x60: {  	s18 =	simm.s32 $0x9200;
	v3 =	vperm.xlane v3, v2  }
0x61: {  	[hbm4b:s3+s2] =	stream.indirect_vreg.scatter [tilespmem:s18], [sflag:$0x3], $0x80, v4, vm0, $0xb8;
	[tilespmem:$0x18200] =	vst v63  }
0x62: {  	s19 =	simm.s32 $0x9A00;
	v3 =	vadd.s32 v1, v3  }
0x63: {  	[hbm4b:s5+s2] =	stream.indirect_vreg.scatter [tilespmem:s19], [sflag:$0x3], $0x80, v4, vm0, $0xb8;
	[tilespmem:$0x18200] =	vst v63  }
0x64: {  	s18 =	simm.s32 $0xA200  }
0x65: {  	[hbm4b:s6+s2] =	stream.indirect_vreg.scatter [tilespmem:s18], [sflag:$0x3], $0x80, v4, vm0, $0xb8;
	[tilespmem:$0x18200] =	vst v63  }
0x66: {  	s19 =	simm.s32 $0xAA00  }
0x67: {  	[hbm4b:s3+s2] =	stream.indirect_vreg.scatter [tilespmem:s19], [sflag:$0x3], $0x80, v3, vm0, $0xb8;
	[tilespmem:$0x18200] =	vst v63  }
0x68: {  	s18 =	simm.s32 $0xB200  }
0x69: {  	[hbm4b:s5+s2] =	stream.indirect_vreg.scatter [tilespmem:s18], [sflag:$0x3], $0x80, v3, vm0, $0xb8;
	[tilespmem:$0x18200] =	vst v63  }
0x6a: {  	s19 =	simm.s32 $0xBA00  }
0x6b: {  	[hbm4b:s6+s2] =	stream.indirect_vreg.scatter [tilespmem:s19], [sflag:$0x3], $0x80, v3, vm0, $0xb8;
	[tilespmem:$0x18200] =	vst v63  }
0x6c: {  	_ =	swait.ge [sflag:s13], $0xC000  }
0x6d: {  	[sflag:s13] =	ssyncset.done $0x0  }
0x6e: {  	s0 =	rddreg [dreg:$0x5];
	[sflag:s13] =	ssyncadd.s32 $0xFFFF4000  }
0x6f: {  	[tilespmem:s10], [sflag:$0x1] =	stream.linear.gather [hbm4b:s0+s2], $0xC000, $0x38;
	[tilespmem:$0x18200] =	vst v63  }
0x70: {  	s0 =	simm.s32 $0x2  }
0x71: {  	_ =	swait.ge [sflag:s0], $0xC000  }
0x72: {  	[sflag:s0] =	ssyncset.done $0x0  }
0x73: {  	[sflag:s0] =	ssyncadd.s32 $0xFFFF4000  }
0x74: {  	v3 =	vld [tilespmem:$0x80];
	_ =	sdelay $0x4  }
0x75: {  	v52 =	vshrl.u32 v3, $0x3  }
0x76: {  	v4 =	vmul.u32 $0x30, v52  }
0x77: {  	v3 =	vand.u32 $0x7, v3  }
0x78: {  	v3 =	vor.u32 v3, v4  }
0x79: {  	v4 =	vperm.xlane v3, v0;
	_ =	sdelay $0x1  }
0x7a: {  	v4 =	vadd.s32 v1, v4;
	_ =	sdelay $0x3  }
0x7b: {  	v3 =	vperm.xlane v3, v2  }
0x7c: {  	[hbm4b:s3+s2] =	stream.indirect_vreg.scatter [tilespmem:s11], [sflag:$0x3], $0x80, v4, vm0, $0xb8;
	[tilespmem:$0x18200] =	vst v63  }
0x7d: {  	v3 =	vadd.s32 v1, v3  }
0x7e: {  	[hbm4b:s5+s2] =	stream.indirect_vreg.scatter [tilespmem:s1], [sflag:$0x3], $0x80, v4, vm0, $0xb8;
	[tilespmem:$0x18200] =	vst v63  }
0x7f: {  	_ = 	snop  }
0x80: {  	[hbm4b:s6+s2] =	stream.indirect_vreg.scatter [tilespmem:s4], [sflag:$0x3], $0x80, v4, vm0, $0xb8;
	[tilespmem:$0x18200] =	vst v63  }
0x81: {  	_ = 	snop  }
0x82: {  	[hbm4b:s3+s2] =	stream.indirect_vreg.scatter [tilespmem:s8], [sflag:$0x3], $0x80, v3, vm0, $0xb8;
	[tilespmem:$0x18200] =	vst v63  }
0x83: {  	_ = 	snop  }
0x84: {  	[hbm4b:s5+s2] =	stream.indirect_vreg.scatter [tilespmem:s9], [sflag:$0x3], $0x80, v3, vm0, $0xb8;
	[tilespmem:$0x18200] =	vst v63  }
0x85: {  	_ = 	snop  }
0x86: {  	[hbm4b:s6+s2] =	stream.indirect_vreg.scatter [tilespmem:s12], [sflag:$0x3], $0x80, v3, vm0, $0xb8;
	[tilespmem:$0x18200] =	vst v63  }
0x87: {  	v3 =	vld [tilespmem:$0x90];
	_ =	sdelay $0x4  }
0x88: {  	v53 =	vshrl.u32 v3, $0x3  }
0x89: {  	v4 =	vmul.u32 $0x30, v53  }
0x8a: {  	v3 =	vand.u32 $0x7, v3  }
0x8b: {  	v3 =	vor.u32 v3, v4  }
0x8c: {  	v4 =	vperm.xlane v3, v0;
	_ =	sdelay $0x1  }
0x8d: {  	v4 =	vadd.s32 v1, v4;
	_ =	sdelay $0x3  }
0x8e: {  	v3 =	vperm.xlane v3, v2  }
0x8f: {  	[hbm4b:s3+s2] =	stream.indirect_vreg.scatter [tilespmem:s15], [sflag:$0x3], $0x80, v4, vm0, $0xb8;
	[tilespmem:$0x18200] =	vst v63  }
0x90: {  	v3 =	vadd.s32 v1, v3  }
0x91: {  	[hbm4b:s5+s2] =	stream.indirect_vreg.scatter [tilespmem:s16], [sflag:$0x3], $0x80, v4, vm0, $0xb8;
	[tilespmem:$0x18200] =	vst v63  }
0x92: {  	_ = 	snop  }
0x93: {  	[hbm4b:s6+s2] =	stream.indirect_vreg.scatter [tilespmem:s17], [sflag:$0x3], $0x80, v4, vm0, $0xb8;
	[tilespmem:$0x18200] =	vst v63  }
0x94: {  	s19 =	simm.s32 $0x10A00  }
0x95: {  	[hbm4b:s3+s2] =	stream.indirect_vreg.scatter [tilespmem:s19], [sflag:$0x3], $0x80, v3, vm0, $0xb8;
	[tilespmem:$0x18200] =	vst v63  }
0x96: {  	_ = 	snop  }
0x97: {  	[hbm4b:s5+s2] =	stream.indirect_vreg.scatter [tilespmem:s20], [sflag:$0x3], $0x80, v3, vm0, $0xb8;
	[tilespmem:$0x18200] =	vst v63  }
0x98: {  	_ = 	snop  }
0x99: {  	[hbm4b:s6+s2] =	stream.indirect_vreg.scatter [tilespmem:s21], [sflag:$0x3], $0x80, v3, vm0, $0xb8;
	[tilespmem:$0x18200] =	vst v63  }
0x9a: {  	v3 =	vld [tilespmem:$0xA0];
	_ =	sdelay $0x4  }
0x9b: {  	v54 =	vshrl.u32 v3, $0x3  }
0x9c: {  	v4 =	vmul.u32 $0x30, v54  }
0x9d: {  	v3 =	vand.u32 $0x7, v3  }
0x9e: {  	v3 =	vor.u32 v3, v4  }
0x9f: {  	v4 =	vperm.xlane v3, v0;
	_ =	sdelay $0x1  }
0xa0: {  	v4 =	vadd.s32 v1, v4;
	_ =	sdelay $0x3  }
0xa1: {  	v3 =	vperm.xlane v3, v2  }
0xa2: {  	[hbm4b:s3+s2] =	stream.indirect_vreg.scatter [tilespmem:s22], [sflag:$0x3], $0x80, v4, vm0, $0xb8;
	[tilespmem:$0x18200] =	vst v63  }
0xa3: {  	v3 =	vadd.s32 v1, v3  }
0xa4: {  	[hbm4b:s5+s2] =	stream.indirect_vreg.scatter [tilespmem:s23], [sflag:$0x3], $0x80, v4, vm0, $0xb8;
	[tilespmem:$0x18200] =	vst v63  }
0xa5: {  	_ = 	snop  }
0xa6: {  	[hbm4b:s6+s2] =	stream.indirect_vreg.scatter [tilespmem:s24], [sflag:$0x3], $0x80, v4, vm0, $0xb8;
	[tilespmem:$0x18200] =	vst v63  }
0xa7: {  	_ = 	snop  }
0xa8: {  	[hbm4b:s3+s2] =	stream.indirect_vreg.scatter [tilespmem:s25], [sflag:$0x3], $0x80, v3, vm0, $0xb8;
	[tilespmem:$0x18200] =	vst v63  }
0xa9: {  	_ = 	snop  }
0xaa: {  	[hbm4b:s5+s2] =	stream.indirect_vreg.scatter [tilespmem:s26], [sflag:$0x3], $0x80, v3, vm0, $0xb8;
	[tilespmem:$0x18200] =	vst v63  }
0xab: {  	_ = 	snop  }
0xac: {  	[hbm4b:s6+s2] =	stream.indirect_vreg.scatter [tilespmem:s28], [sflag:$0x3], $0x80, v3, vm0, $0xb8;
	[tilespmem:$0x18200] =	vst v63  }
0xad: {  	v3 =	vld [tilespmem:$0xB0];
	_ =	sdelay $0x4  }
0xae: {  	v55 =	vshrl.u32 v3, $0x3  }
0xaf: {  	v4 =	vmul.u32 $0x30, v55  }
0xb0: {  	v3 =	vand.u32 $0x7, v3  }
0xb1: {  	v3 =	vor.u32 v3, v4  }
0xb2: {  	v4 =	vperm.xlane v3, v0;
	_ =	sdelay $0x1  }
0xb3: {  	v4 =	vadd.s32 v1, v4;
	_ =	sdelay $0x3  }
0xb4: {  	v3 =	vperm.xlane v3, v2  }
0xb5: {  	[hbm4b:s3+s2] =	stream.indirect_vreg.scatter [tilespmem:s29], [sflag:$0x3], $0x80, v4, vm0, $0xb8;
	[tilespmem:$0x18200] =	vst v63  }
0xb6: {  	v3 =	vadd.s32 v1, v3  }
0xb7: {  	[hbm4b:s5+s2] =	stream.indirect_vreg.scatter [tilespmem:s30], [sflag:$0x3], $0x80, v4, vm0, $0xb8;
	[tilespmem:$0x18200] =	vst v63  }
0xb8: {  	_ = 	snop  }
0xb9: {  	[hbm4b:s6+s2] =	stream.indirect_vreg.scatter [tilespmem:s31], [sflag:$0x3], $0x80, v4, vm0, $0xb8;
	[tilespmem:$0x18200] =	vst v63  }
0xba: {  	s18 =	simm.s32 $0x16A00  }
0xbb: {  	[hbm4b:s3+s2] =	stream.indirect_vreg.scatter [tilespmem:s18], [sflag:$0x3], $0x80, v3, vm0, $0xb8;
	[tilespmem:$0x18200] =	vst v63  }
0xbc: {  	s18 =	simm.s32 $0x17200  }
0xbd: {  	[hbm4b:s5+s2] =	stream.indirect_vreg.scatter [tilespmem:s18], [sflag:$0x3], $0x80, v3, vm0, $0xb8;
	[tilespmem:$0x18200] =	vst v63  }
0xbe: {  	s18 =	simm.s32 $0x17A00  }
0xbf: {  	[hbm4b:s6+s2] =	stream.indirect_vreg.scatter [tilespmem:s18], [sflag:$0x3], $0x80, v3, vm0, $0xb8;
	[tilespmem:$0x18200] =	vst v63  }
0xc0: {  	_ =	swait.ge [sflag:s13], $0xC000  }
0xc1: {  	[sflag:s13] =	ssyncset.done $0x0  }
0xc2: {  	s18 =	rddreg [dreg:$0x6];
	[sflag:s13] =	ssyncadd.s32 $0xFFFF4000  }
0xc3: {  	[tilespmem:s11], [sflag:$0x2] =	stream.linear.gather [hbm4b:s18+s2], $0xC000, $0x38;
	[tilespmem:$0x18200] =	vst v63  }
0xc4: {  	_ =	swait.ge [sflag:s14], $0xC000  }
0xc5: {  	[sflag:s14] =	ssyncset.done $0x0  }
0xc6: {  	[sflag:s14] =	ssyncadd.s32 $0xFFFF4000  }
0xc7: {  	v3 =	vld [tilespmem:$0x100];
	_ =	sdelay $0x4  }
0xc8: {  	v56 =	vshrl.u32 v3, $0x3  }
0xc9: {  	v4 =	vmul.u32 $0x30, v56  }
0xca: {  	v3 =	vand.u32 $0x7, v3  }
0xcb: {  	v3 =	vor.u32 v3, v4  }
0xcc: {  	v4 =	vperm.xlane v3, v0;
	_ =	sdelay $0x1  }
0xcd: {  	v4 =	vadd.s32 v1, v4;
	_ =	sdelay $0x3  }
0xce: {  	v3 =	vperm.xlane v3, v2  }
0xcf: {  	[hbm4b:s3+s2] =	stream.indirect_vreg.scatter [tilespmem:s10], [sflag:$0x3], $0x80, v4, vm0, $0xb8;
	[tilespmem:$0x18200] =	vst v63  }
0xd0: {  	s18 =	simm.s32 $0xA00;
	v3 =	vadd.s32 v1, v3  }
0xd1: {  	[hbm4b:s5+s2] =	stream.indirect_vreg.scatter [tilespmem:s18], [sflag:$0x3], $0x80, v4, vm0, $0xb8;
	[tilespmem:$0x18200] =	vst v63  }
0xd2: {  	s18 =	simm.s32 $0x1200  }
0xd3: {  	[hbm4b:s6+s2] =	stream.indirect_vreg.scatter [tilespmem:s18], [sflag:$0x3], $0x80, v4, vm0, $0xb8;
	[tilespmem:$0x18200] =	vst v63  }
0xd4: {  	s18 =	simm.s32 $0x1A00  }
0xd5: {  	[hbm4b:s3+s2] =	stream.indirect_vreg.scatter [tilespmem:s18], [sflag:$0x3], $0x80, v3, vm0, $0xb8;
	[tilespmem:$0x18200] =	vst v63  }
0xd6: {  	s18 =	simm.s32 $0x2200  }
0xd7: {  	[hbm4b:s5+s2] =	stream.indirect_vreg.scatter [tilespmem:s18], [sflag:$0x3], $0x80, v3, vm0, $0xb8;
	[tilespmem:$0x18200] =	vst v63  }
0xd8: {  	s18 =	simm.s32 $0x2A00  }
0xd9: {  	[hbm4b:s6+s2] =	stream.indirect_vreg.scatter [tilespmem:s18], [sflag:$0x3], $0x80, v3, vm0, $0xb8;
	[tilespmem:$0x18200] =	vst v63  }
0xda: {  	v3 =	vld [tilespmem:$0x110];
	_ =	sdelay $0x4  }
0xdb: {  	v57 =	vshrl.u32 v3, $0x3  }
0xdc: {  	v4 =	vmul.u32 $0x30, v57  }
0xdd: {  	v3 =	vand.u32 $0x7, v3  }
0xde: {  	v3 =	vor.u32 v3, v4  }
0xdf: {  	v4 =	vperm.xlane v3, v0;
	_ =	sdelay $0x1  }
0xe0: {  	v4 =	vadd.s32 v1, v4;
	_ =	sdelay $0x3  }
0xe1: {  	s18 =	simm.s32 $0x3200;
	v3 =	vperm.xlane v3, v2  }
0xe2: {  	[hbm4b:s3+s2] =	stream.indirect_vreg.scatter [tilespmem:s18], [sflag:$0x3], $0x80, v4, vm0, $0xb8;
	[tilespmem:$0x18200] =	vst v63  }
0xe3: {  	v3 =	vadd.s32 v1, v3;
	s18 =	simm.s32 $0x3A00  }
0xe4: {  	[hbm4b:s5+s2] =	stream.indirect_vreg.scatter [tilespmem:s18], [sflag:$0x3], $0x80, v4, vm0, $0xb8;
	[tilespmem:$0x18200] =	vst v63  }
0xe5: {  	s18 =	simm.s32 $0x4200  }
0xe6: {  	[hbm4b:s6+s2] =	stream.indirect_vreg.scatter [tilespmem:s18], [sflag:$0x3], $0x80, v4, vm0, $0xb8;
	[tilespmem:$0x18200] =	vst v63  }
0xe7: {  	s18 =	simm.s32 $0x4A00  }
0xe8: {  	[hbm4b:s3+s2] =	stream.indirect_vreg.scatter [tilespmem:s18], [sflag:$0x3], $0x80, v3, vm0, $0xb8;
	[tilespmem:$0x18200] =	vst v63  }
0xe9: {  	s18 =	simm.s32 $0x5200  }
0xea: {  	[hbm4b:s5+s2] =	stream.indirect_vreg.scatter [tilespmem:s18], [sflag:$0x3], $0x80, v3, vm0, $0xb8;
	[tilespmem:$0x18200] =	vst v63  }
0xeb: {  	s18 =	simm.s32 $0x5A00  }
0xec: {  	[hbm4b:s6+s2] =	stream.indirect_vreg.scatter [tilespmem:s18], [sflag:$0x3], $0x80, v3, vm0, $0xb8;
	[tilespmem:$0x18200] =	vst v63  }
0xed: {  	v3 =	vld [tilespmem:$0x120];
	_ =	sdelay $0x4  }
0xee: {  	v58 =	vshrl.u32 v3, $0x3  }
0xef: {  	v4 =	vmul.u32 $0x30, v58  }
0xf0: {  	v3 =	vand.u32 $0x7, v3  }
0xf1: {  	v3 =	vor.u32 v3, v4  }
0xf2: {  	v4 =	vperm.xlane v3, v0;
	_ =	sdelay $0x1  }
0xf3: {  	v4 =	vadd.s32 v1, v4;
	_ =	sdelay $0x3  }
0xf4: {  	s18 =	simm.s32 $0x6200;
	v3 =	vperm.xlane v3, v2  }
0xf5: {  	[hbm4b:s3+s2] =	stream.indirect_vreg.scatter [tilespmem:s18], [sflag:$0x3], $0x80, v4, vm0, $0xb8;
	[tilespmem:$0x18200] =	vst v63  }
0xf6: {  	v3 =	vadd.s32 v1, v3;
	s18 =	simm.s32 $0x6A00  }
0xf7: {  	[hbm4b:s5+s2] =	stream.indirect_vreg.scatter [tilespmem:s18], [sflag:$0x3], $0x80, v4, vm0, $0xb8;
	[tilespmem:$0x18200] =	vst v63  }
0xf8: {  	s18 =	simm.s32 $0x7200  }
0xf9: {  	[hbm4b:s6+s2] =	stream.indirect_vreg.scatter [tilespmem:s18], [sflag:$0x3], $0x80, v4, vm0, $0xb8;
	[tilespmem:$0x18200] =	vst v63  }
0xfa: {  	s18 =	simm.s32 $0x7A00  }
0xfb: {  	[hbm4b:s3+s2] =	stream.indirect_vreg.scatter [tilespmem:s18], [sflag:$0x3], $0x80, v3, vm0, $0xb8;
	[tilespmem:$0x18200] =	vst v63  }
0xfc: {  	s18 =	simm.s32 $0x8200  }
0xfd: {  	[hbm4b:s5+s2] =	stream.indirect_vreg.scatter [tilespmem:s18], [sflag:$0x3], $0x80, v3, vm0, $0xb8;
	[tilespmem:$0x18200] =	vst v63  }
0xfe: {  	s18 =	simm.s32 $0x8A00  }
0xff: {  	[hbm4b:s6+s2] =	stream.indirect_vreg.scatter [tilespmem:s18], [sflag:$0x3], $0x80, v3, vm0, $0xb8;
	[tilespmem:$0x18200] =	vst v63  }
0x100: {  	v3 =	vld [tilespmem:$0x130];
	_ =	sdelay $0x4  }
0x101: {  	v59 =	vshrl.u32 v3, $0x3  }
0x102: {  	v4 =	vmul.u32 $0x30, v59  }
0x103: {  	v3 =	vand.u32 $0x7, v3  }
0x104: {  	v3 =	vor.u32 v3, v4  }
0x105: {  	v4 =	vperm.xlane v3, v0;
	_ =	sdelay $0x1  }
0x106: {  	v4 =	vadd.s32 v1, v4;
	_ =	sdelay $0x3  }
0x107: {  	s18 =	simm.s32 $0x9200;
	v3 =	vperm.xlane v3, v2  }
0x108: {  	[hbm4b:s3+s2] =	stream.indirect_vreg.scatter [tilespmem:s18], [sflag:$0x3], $0x80, v4, vm0, $0xb8;
	[tilespmem:$0x18200] =	vst v63  }
0x109: {  	v3 =	vadd.s32 v1, v3;
	s18 =	simm.s32 $0x9A00  }
0x10a: {  	[hbm4b:s5+s2] =	stream.indirect_vreg.scatter [tilespmem:s18], [sflag:$0x3], $0x80, v4, vm0, $0xb8;
	[tilespmem:$0x18200] =	vst v63  }
0x10b: {  	s18 =	simm.s32 $0xA200  }
0x10c: {  	[hbm4b:s6+s2] =	stream.indirect_vreg.scatter [tilespmem:s18], [sflag:$0x3], $0x80, v4, vm0, $0xb8;
	[tilespmem:$0x18200] =	vst v63  }
0x10d: {  	s18 =	simm.s32 $0xAA00  }
0x10e: {  	[hbm4b:s3+s2] =	stream.indirect_vreg.scatter [tilespmem:s18], [sflag:$0x3], $0x80, v3, vm0, $0xb8;
	[tilespmem:$0x18200] =	vst v63  }
0x10f: {  	s18 =	simm.s32 $0xB200  }
0x110: {  	[hbm4b:s5+s2] =	stream.indirect_vreg.scatter [tilespmem:s18], [sflag:$0x3], $0x80, v3, vm0, $0xb8;
	[tilespmem:$0x18200] =	vst v63  }
0x111: {  	s18 =	simm.s32 $0xBA00  }
0x112: {  	[hbm4b:s6+s2] =	stream.indirect_vreg.scatter [tilespmem:s18], [sflag:$0x3], $0x80, v3, vm0, $0xb8;
	[tilespmem:$0x18200] =	vst v63  }
0x113: {  	_ =	swait.ge [sflag:s13], $0xC000  }
0x114: {  	[sflag:s13] =	ssyncset.done $0x0  }
0x115: {  	[sflag:s13] =	ssyncadd.s32 $0xFFFF4000  }
0x116: {  	_ =	swait.ge [sflag:s0], $0xC000  }
0x117: {  	[sflag:s0] =	ssyncset.done $0x0  }
0x118: {  	[sflag:s0] =	ssyncadd.s32 $0xFFFF4000  }
0x119: {  	v3 =	vld [tilespmem:$0x180];
	_ =	sdelay $0x4  }
0x11a: {  	v60 =	vshrl.u32 v3, $0x3  }
0x11b: {  	v4 =	vmul.u32 $0x30, v60  }
0x11c: {  	v3 =	vand.u32 $0x7, v3  }
0x11d: {  	v3 =	vor.u32 v3, v4  }
0x11e: {  	v4 =	vperm.xlane v3, v0;
	_ =	sdelay $0x1  }
0x11f: {  	v4 =	vadd.s32 v1, v4;
	_ =	sdelay $0x3  }
0x120: {  	v3 =	vperm.xlane v3, v2  }
0x121: {  	[hbm4b:s3+s2] =	stream.indirect_vreg.scatter [tilespmem:s11], [sflag:$0x3], $0x80, v4, vm0, $0xb8;
	[tilespmem:$0x18200] =	vst v63  }
0x122: {  	v3 =	vadd.s32 v1, v3  }
0x123: {  	[hbm4b:s5+s2] =	stream.indirect_vreg.scatter [tilespmem:s1], [sflag:$0x3], $0x80, v4, vm0, $0xb8;
	[tilespmem:$0x18200] =	vst v63  }
0x124: {  	_ = 	snop  }
0x125: {  	[hbm4b:s6+s2] =	stream.indirect_vreg.scatter [tilespmem:s4], [sflag:$0x3], $0x80, v4, vm0, $0xb8;
	[tilespmem:$0x18200] =	vst v63  }
0x126: {  	_ = 	snop  }
0x127: {  	[hbm4b:s3+s2] =	stream.indirect_vreg.scatter [tilespmem:s8], [sflag:$0x3], $0x80, v3, vm0, $0xb8;
	[tilespmem:$0x18200] =	vst v63  }
0x128: {  	_ = 	snop  }
0x129: {  	[hbm4b:s5+s2] =	stream.indirect_vreg.scatter [tilespmem:s9], [sflag:$0x3], $0x80, v3, vm0, $0xb8;
	[tilespmem:$0x18200] =	vst v63  }
0x12a: {  	_ = 	snop  }
0x12b: {  	[hbm4b:s6+s2] =	stream.indirect_vreg.scatter [tilespmem:s12], [sflag:$0x3], $0x80, v3, vm0, $0xb8;
	[tilespmem:$0x18200] =	vst v63  }
0x12c: {  	v3 =	vld [tilespmem:$0x190];
	_ =	sdelay $0x4  }
0x12d: {  	v61 =	vshrl.u32 v3, $0x3  }
0x12e: {  	v4 =	vmul.u32 $0x30, v61  }
0x12f: {  	v3 =	vand.u32 $0x7, v3  }
0x130: {  	v3 =	vor.u32 v3, v4  }
0x131: {  	v4 =	vperm.xlane v3, v0;
	_ =	sdelay $0x1  }
0x132: {  	v4 =	vadd.s32 v1, v4;
	_ =	sdelay $0x3  }
0x133: {  	v3 =	vperm.xlane v3, v2  }
0x134: {  	[hbm4b:s3+s2] =	stream.indirect_vreg.scatter [tilespmem:s15], [sflag:$0x3], $0x80, v4, vm0, $0xb8;
	[tilespmem:$0x18200] =	vst v63  }
0x135: {  	v3 =	vadd.s32 v1, v3  }
0x136: {  	[hbm4b:s5+s2] =	stream.indirect_vreg.scatter [tilespmem:s16], [sflag:$0x3], $0x80, v4, vm0, $0xb8;
	[tilespmem:$0x18200] =	vst v63  }
0x137: {  	_ = 	snop  }
0x138: {  	[hbm4b:s6+s2] =	stream.indirect_vreg.scatter [tilespmem:s17], [sflag:$0x3], $0x80, v4, vm0, $0xb8;
	[tilespmem:$0x18200] =	vst v63  }
0x139: {  	_ = 	snop  }
0x13a: {  	[hbm4b:s3+s2] =	stream.indirect_vreg.scatter [tilespmem:s19], [sflag:$0x3], $0x80, v3, vm0, $0xb8;
	[tilespmem:$0x18200] =	vst v63  }
0x13b: {  	_ = 	snop  }
0x13c: {  	[hbm4b:s5+s2] =	stream.indirect_vreg.scatter [tilespmem:s20], [sflag:$0x3], $0x80, v3, vm0, $0xb8;
	[tilespmem:$0x18200] =	vst v63  }
0x13d: {  	_ = 	snop  }
0x13e: {  	[hbm4b:s6+s2] =	stream.indirect_vreg.scatter [tilespmem:s21], [sflag:$0x3], $0x80, v3, vm0, $0xb8;
	[tilespmem:$0x18200] =	vst v63  }
0x13f: {  	v3 =	vld [tilespmem:$0x1A0];
	_ =	sdelay $0x4  }
0x140: {  	v62 =	vshrl.u32 v3, $0x3  }
0x141: {  	v4 =	vmul.u32 $0x30, v62  }
0x142: {  	v3 =	vand.u32 $0x7, v3  }
0x143: {  	v3 =	vor.u32 v3, v4  }
0x144: {  	v4 =	vperm.xlane v3, v0;
	_ =	sdelay $0x1  }
0x145: {  	v4 =	vadd.s32 v1, v4;
	_ =	sdelay $0x3  }
0x146: {  	v3 =	vperm.xlane v3, v2  }
0x147: {  	[hbm4b:s3+s2] =	stream.indirect_vreg.scatter [tilespmem:s22], [sflag:$0x3], $0x80, v4, vm0, $0xb8;
	[tilespmem:$0x18200] =	vst v63  }
0x148: {  	v3 =	vadd.s32 v1, v3  }
0x149: {  	[hbm4b:s5+s2] =	stream.indirect_vreg.scatter [tilespmem:s23], [sflag:$0x3], $0x80, v4, vm0, $0xb8;
	[tilespmem:$0x18200] =	vst v63  }
0x14a: {  	_ = 	snop  }
0x14b: {  	[hbm4b:s6+s2] =	stream.indirect_vreg.scatter [tilespmem:s24], [sflag:$0x3], $0x80, v4, vm0, $0xb8;
	[tilespmem:$0x18200] =	vst v63  }
0x14c: {  	_ = 	snop  }
0x14d: {  	[hbm4b:s3+s2] =	stream.indirect_vreg.scatter [tilespmem:s25], [sflag:$0x3], $0x80, v3, vm0, $0xb8;
	[tilespmem:$0x18200] =	vst v63  }
0x14e: {  	_ = 	snop  }
0x14f: {  	[hbm4b:s5+s2] =	stream.indirect_vreg.scatter [tilespmem:s26], [sflag:$0x3], $0x80, v3, vm0, $0xb8;
	[tilespmem:$0x18200] =	vst v63  }
0x150: {  	_ = 	snop  }
0x151: {  	[hbm4b:s6+s2] =	stream.indirect_vreg.scatter [tilespmem:s28], [sflag:$0x3], $0x80, v3, vm0, $0xb8;
	[tilespmem:$0x18200] =	vst v63  }
0x152: {  	v3 =	vld [tilespmem:$0x1B0];
	_ =	sdelay $0x4  }
0x153: {  	v63 =	vshrl.u32 v3, $0x3  }
0x154: {  	v4 =	vmul.u32 $0x30, v63  }
0x155: {  	v3 =	vand.u32 $0x7, v3  }
0x156: {  	v3 =	vor.u32 v3, v4  }
0x157: {  	v4 =	vperm.xlane v3, v0;
	_ =	sdelay $0x1  }
0x158: {  	v4 =	vadd.s32 v1, v4;
	_ =	sdelay $0x3  }
0x159: {  	v3 =	vperm.xlane v3, v2  }
0x15a: {  	[hbm4b:s3+s2] =	stream.indirect_vreg.scatter [tilespmem:s29], [sflag:$0x3], $0x80, v4, vm0, $0xb8;
	[tilespmem:$0x18200] =	vst v63  }
0x15b: {  	v3 =	vadd.s32 v1, v3  }
0x15c: {  	[hbm4b:s5+s2] =	stream.indirect_vreg.scatter [tilespmem:s30], [sflag:$0x3], $0x80, v4, vm0, $0xb8;
	[tilespmem:$0x18200] =	vst v63  }
0x15d: {  	_ = 	snop  }
0x15e: {  	[hbm4b:s6+s2] =	stream.indirect_vreg.scatter [tilespmem:s31], [sflag:$0x3], $0x80, v4, vm0, $0xb8;
	[tilespmem:$0x18200] =	vst v63  }
0x15f: {  	s10 =	simm.s32 $0x16A00  }
0x160: {  	[hbm4b:s3+s2] =	stream.indirect_vreg.scatter [tilespmem:s10], [sflag:$0x3], $0x80, v3, vm0, $0xb8;
	[tilespmem:$0x18200] =	vst v63  }
0x161: {  	p0 =	sne.s32 s7, $0x1;
	s18 =	simm.s32 $0x17200  }
0x162: {  	[hbm4b:s5+s2] =	stream.indirect_vreg.scatter [tilespmem:s18], [sflag:$0x3], $0x80, v3, vm0, $0xb8;
	[tilespmem:$0x18200] =	vst v63  }
.Ltmp0:
0x163: {  	s19 =	simm.s32 $0x17A00;
	(pc) =	sbr.rel @p0 .LBB2_1-.Ltmp0, $4  }
0x164: {  	[hbm4b:s6+s2] =	stream.indirect_vreg.scatter [tilespmem:s19], [sflag:$0x3], $0x80, v3, vm0, $0xb8;
	[tilespmem:$0x18200] =	vst v63  }
0x165: {  	_ =	swait.ge [sflag:s13], $0xC000  }
0x166: {  	[sflag:s13] =	ssyncset.done $0x0  }
0x167: {  	s7 =	sadd.s32 $0xFFFFFFFF, s7;
	[sflag:s13] =	ssyncadd.s32 $0xFFFF4000  }
0x168: {  	_ =	sfence.sel $0x180000  }
0x169: {  	[bflag:$0x0] =	sbarrier.arrive $0xFFFF  }
0x16a: {  	_ =	strace $0x90000047  }
0x16b: {  	s0 =	stileid.u32;
	[bflag:$0x2] =	sbarrier.arrive $0xFFFF  }
0x16c: {  	p0 =	sne.s32 s0, $0x0;
	s0 =	rddreg [dreg:$0x2]  }
0x16d: {  	s0 =	sadd.s32 @!p0 $0x100000, s0  }
0x16e: {  	[sflag:s0] =	ssyncadd.tile.s32 @!p0 $0x1;
	_ =	shalt  }
.Lfunc_end2:
_tile_overlayer_lowered:
.L_overlay_start_2:
0x16f: {  	(tag) =	ssettag $0x2  }
0x170: {  	s0 =	rddreg [dreg:$0x0];
	s2 =	stileid.u32  }
0x171: {  	s1 =	rddreg [dreg:$0x1];
	p0 =	sne.s32 s2, $0x0  }
0x172: {  	s3 =	rddreg [dreg:$0x2];
	[bflag:$0x3] =	sbarrier.arrive $0xFFFF;
	s2 =	simm.s32 @!p0 $0x1C04  }
0x173: {  	[timem:s3], [sflag:s2] =	dma.local @!p0 [hbm:s0], s1  }
0x174: {  	s0 =	simm.s32 @!p0 $0x4  }
0x175: {  	_ =	swait.ge @!p0 [sflag:s0], s1  }
0x176: {  	s1 =	ssub.s32 @!p0 $0x0, s1;
	[sflag:s0] =	ssyncset.done @!p0 $0x0  }
0x177: {  	[sflag:s0] =	ssyncadd.s32 @!p0 s1  }
0x178: {  	[bflag:$0x3] =	sbarrier.arrive $0xFFFF  }
0x179: {  	_ =	shalt  }

// kernel: kernel.9.cloned.1.call-start
scs
__scs_entry_jumppad:
0x0: {  	(pc) =	sbr.rel $0x88, $3  }
0x1: {  	(tag) =	ssettag $0x0;
	lr =	simm.s32 $0x1  }
0x2: {  	[smem:$0x3F9C] =	sst lr;
	_ =	strace $0xD0000000  }
0x3: {  	_ = 	snop  }
0x4: {  	_ = 	snop  }
0x5: {  	_ = 	snop  }
0x6: {  	_ = 	snop  }
0x7: {  	_ = 	snop  }
__scs_overlays_trampoline_lowered:
0x8: {  	[smem:$0x3FAB] =	sst s0  }
0x9: {  	[smem:$0x3FAC] =	sst s1  }
0xa: {  	[smem:$0x3FAD] =	sst s2  }
0xb: {  	[smem:$0x3FAE] =	sst s3  }
0xc: {  	[smem:$0x3FAF] =	sst s4  }
0xd: {  	[smem:$0x3FB0] =	sst s5  }
0xe: {  	[smem:$0x3FB1] =	sst s6  }
0xf: {  	[smem:$0x3FB2] =	sst s7  }
0x10: {  	[smem:$0x3FB3] =	sst s8  }
0x11: {  	[smem:$0x3FB4] =	sst s9;
	s0 =	simm.s32 @!p0 $0x0  }
0x12: {  	s1 =	sld [smem:$0x3F9A];
	s0 =	simm.s32 @p0 $0x1  }
0x13: {  	[smem:$0x3FB5] =	sst s0;
	s0 =	simm.s32 @!p1 $0x0  }
0x14: {  	s2 =	sld [smem:$0x3F99];
	s0 =	simm.s32 @p1 $0x1  }
0x15: {  	[smem:$0x3FB6] =	sst s0;
	s0 =	simm.s32 @!p2 $0x0  }
0x16: {  	s3 =	sld [smem:$0x3FDB];
	s0 =	simm.s32 @p2 $0x1  }
0x17: {  	s4 =	simm.s32 $0x1BF5;
	[smem:$0x3FB8] =	sst s0  }
0x18: {  	s0 =	sld [smem:$0x3F9B];
	_ =	swait.ge [sflag:s4], $0x0  }
0x19: {  	s7 =	sld [smem:$0x3F9C]  }
0x1a: {  	s8 =	sadd.s32 $0xFFFFE003, lr  }
0x1b: {  	s9 =	sadd.s32 $0xFFFFFEF7, lr;
	s5 =	simm.s32 $0xFFFFFFFF;
	p2 =	slt.u32 s8, $0xFFFFF086  }
0x1c: {  	p1 =	slt.u32 s9, $0xF7A;
	s5 =	simm.s32 @!p2 $0x0  }
0x1d: {  	s5 =	simm.s32 @p1 $0x1;
	p0 =	seq.s32 s7, s2  }
0x1e: {  	s7 =	smul.u32 @!p0 $0xF7A, s2;
	p2 =	seq.s32 @!p0 s5, $0x0  }
0x1f: {  	s9 =	smul.u32 $0xF7A, s1;
	s8 =	simm.s32 @!p0 $0x1BF5;
	p2 =	por !p2, p0  }
0x20: {  	[sflag:s8] =	ssyncset.s32 @!p0 $0xFFFFF086;
	s6 =	sadd.s32 @!p0 s3, s7;
	s7 =	simm.s32 @!p0 $0x108  }
0x21: {  	s3 =	sadd.s32 s3, s9;
	s6 =	sadd.s32 @!p0 $0x88, s6;
	s7 =	simm.s32 @p2 $0x1082  }
0x22: {  	[simem:s7], [sflag:s8] =	dma.local @!p0 [hbm:s6], $0xF7A  }
0x23: {  	s9 =	sor.u32 $0xD0000000, s2;
	s6 =	simm.s32 $0x108;
	_ =	swait.ge @!p0 [sflag:s8], $0x0  }
0x24: {  	s3 =	sadd.s32 $0x88, s3;
	s6 =	simm.s32 @!p1 $0x1082;
	[sflag:s4] =	ssyncset.s32 $0xFFFFF086  }
0x25: {  	[simem:s6], [sflag:s4] =	dma.local [hbm:s3], $0xF7A  }
0x26: {  	[smem:$0x3F9C] =	sst s1;
	(tag) =	ssettag s2;
	_ =	strace s9  }
0x27: {  	s1 =	sld [smem:$0x3FAC]  }
0x28: {  	s2 =	sld [smem:$0x3FAD]  }
0x29: {  	s4 =	sld [smem:$0x3FAF]  }
0x2a: {  	p0 =	seq.s32 s5, $0x0;
	s5 =	sld [smem:$0x3FB0]  }
0x2b: {  	s6 =	sld [smem:$0x3FB1]  }
0x2c: {  	s7 =	sld [smem:$0x3FB2]  }
0x2d: {  	s3 =	simm.s32 $0x108;
	s8 =	sld [smem:$0x3FB3]  }
0x2e: {  	s3 =	simm.s32 @!p0 $0x1082;
	s9 =	sld [smem:$0x3FB4]  }
0x2f: {  	lr =	sadd.s32 s0, s3;
	s0 =	sld [smem:$0x3FAB]  }
0x30: {  	s3 =	sld [smem:$0x3FAE]  }
0x31: {  	[smem:$0x3FB7] =	sst s10  }
0x32: {  	s10 =	sld [smem:$0x3FB5];
	_ =	sdelay $0x3  }
0x33: {  	p0 =	seq.s32 s10, $0x1;
	s10 =	sld [smem:$0x3FB7];
	_ =	sdelay $0x3  }
0x34: {  	[smem:$0x3FB7] =	sst s10  }
0x35: {  	s10 =	sld [smem:$0x3FB6];
	_ =	sdelay $0x3  }
0x36: {  	p1 =	seq.s32 s10, $0x1;
	s10 =	sld [smem:$0x3FB7];
	_ =	sdelay $0x3  }
0x37: {  	[smem:$0x3FB7] =	sst s10  }
0x38: {  	s10 =	sld [smem:$0x3FB8]  }
0x39: {  	_ = 	snop;
	(pc) =	sbr.ind lr, $3  }
0x3a: {  	_ = 	snop  }
0x3b: {  	_ = 	snop  }
0x3c: {  	p2 =	seq.s32 s10, $0x1;
	s10 =	sld [smem:$0x3FB7]  }
0x3d: {  	_ =	shalt  }
0x3e: {  	_ =	shalt  }
0x3f: {  	_ =	shalt  }
0x40: {  	_ =	shalt  }
0x41: {  	_ =	shalt  }
0x42: {  	_ =	shalt  }
0x43: {  	_ =	shalt  }
0x44: {  	_ =	shalt  }
0x45: {  	_ =	shalt  }
0x46: {  	_ =	shalt  }
0x47: {  	_ =	shalt  }
0x48: {  	_ =	shalt  }
0x49: {  	_ =	shalt  }
0x4a: {  	_ =	shalt  }
0x4b: {  	_ =	shalt  }
0x4c: {  	_ =	shalt  }
0x4d: {  	_ =	shalt  }
0x4e: {  	_ =	shalt  }
0x4f: {  	_ =	shalt  }
0x50: {  	_ =	shalt  }
0x51: {  	_ =	shalt  }
0x52: {  	_ =	shalt  }
0x53: {  	_ =	shalt  }
0x54: {  	_ =	shalt  }
0x55: {  	_ =	shalt  }
0x56: {  	_ =	shalt  }
0x57: {  	_ =	shalt  }
0x58: {  	_ =	shalt  }
0x59: {  	_ =	shalt  }
0x5a: {  	_ =	shalt  }
0x5b: {  	_ =	shalt  }
0x5c: {  	_ =	shalt  }
0x5d: {  	_ =	shalt  }
0x5e: {  	_ =	shalt  }
0x5f: {  	_ =	shalt  }
0x60: {  	_ =	shalt  }
0x61: {  	_ =	shalt  }
0x62: {  	_ =	shalt  }
0x63: {  	_ =	shalt  }
0x64: {  	_ =	shalt  }
0x65: {  	_ =	shalt  }
0x66: {  	_ =	shalt  }
0x67: {  	_ =	shalt  }
0x68: {  	_ =	shalt  }
0x69: {  	_ =	shalt  }
0x6a: {  	_ =	shalt  }
0x6b: {  	_ =	shalt  }
0x6c: {  	_ =	shalt  }
0x6d: {  	_ =	shalt  }
0x6e: {  	_ =	shalt  }
0x6f: {  	_ =	shalt  }
0x70: {  	_ =	shalt  }
0x71: {  	_ =	shalt  }
0x72: {  	_ =	shalt  }
0x73: {  	_ =	shalt  }
0x74: {  	_ =	shalt  }
0x75: {  	_ =	shalt  }
0x76: {  	_ =	shalt  }
0x77: {  	_ =	shalt  }
0x78: {  	_ =	shalt  }
0x79: {  	_ =	shalt  }
0x7a: {  	_ =	shalt  }
0x7b: {  	_ =	shalt  }
0x7c: {  	_ =	shalt  }
0x7d: {  	_ =	shalt  }
0x7e: {  	_ =	shalt  }
0x7f: {  	_ =	shalt  }
0x80: {  	_ =	shalt  }
0x81: {  	_ =	shalt  }
0x82: {  	_ =	shalt  }
0x83: {  	_ =	shalt  }
0x84: {  	_ =	shalt  }
0x85: {  	_ =	shalt  }
0x86: {  	_ =	shalt  }
0x87: {  	_ =	shalt  }
.Lfunc_end0:
.L_simem_size_0:
called_computation.1_lowered:
.L_overlay_start_0:
0x88: {  	s2 =	sld [smem:$0x3FD9]  }
0x89: {  	s3 =	sld [smem:$0x3FFE];
	_ =	sdelay $0x1  }
0x8a: {  	s1 =	srdreg.scid  }
0x8b: {  	s0 =	sand.u32 $0x1, s1  }
0x8c: {  	s14 =	sshll.u32 s0, $0xA;
	s2 =	sadd.s32 s3, s2  }
0x8d: {  	s2 =	sadd.s32 s2, s14  }
0x8e: {  	[smem:$0x3FC3] =	sst s2  }
0x8f: {  	_ = 	snop  }
0x90: {  	s2 =	sld [smem:$0x3FD0];
	_ =	sdelay $0x2  }
0x91: {  	s15 =	simm.s32 $0xA;
	s4 =	simm.s32 $0x10  }
0x92: {  	[smem:s4], [sflag:s15] =	dma.local [hbm:s2], $0x1  }
0x93: {  	_ =	swait.eq [sflag:s15], $0x1  }
0x94: {  	[sflag:s15] =	ssyncset.done $0x0  }
0x95: {  	[sflag:s15] =	ssyncadd.s32 $0xFFFFFFFF  }
0x96: {  	s16 =	sld [smem:$0x10];
	(tm) =	ssettm $0x1  }
0x97: {  	s17 =	sld [smem:$0x3FFB];
	_ =	sdelay $0x3  }
0x98: {  	_ =	strace s17  }
0x99: {  	s3 =	sld [smem:$0x3FFC];
	_ =	sdelay $0x3  }
0x9a: {  	_ =	strace s3  }
0x9b: {  	s3 =	sld [smem:$0x3FFD];
	_ =	sdelay $0x3  }
0x9c: {  	_ =	strace s3  }
0x9d: {  	_ =	strace $0x8FFFFFFF  }
0x9e: {  	s18 =	sld [smem:$0x3FDB];
	_ =	sdelay $0x1  }
0x9f: {  	s19 =	simm.s32 $_scs_section_size  }
0xa0: {  	s5 =	simm.s32 $_size__tile_overlayer_lowered;
	s6 =	simm.s32 $_tile_overlayer_lowered  }
0xa1: {  	s22 =	simm.s32 $0x1BFF;
	s21 =	sshll.u32 s6, $0x1;
	s3 =	sadd.s32 s19, s18  }
0xa2: {  	s7 =	simm.s32 $0x0;
	s20 =	sshll.u32 s5, $0x1;
	s5 =	sadd.s32 s21, s3  }
0xa3: {  	[timem:s7], [sflag:s22] =	dma.local [hbm:s5], s20  }
0xa4: {  	_ =	swait.ge [sflag:s22], s20  }
0xa5: {  	s4 =	ssub.s32 $0x0, s20;
	[sflag:s22] =	ssyncset.done $0x0  }
0xa6: {  	[sflag:s22] =	ssyncadd.s32 s4;
	_ =	sdelay $0x1  }
0xa7: {  	s23 =	simm.s32 $0x1B8B  }
0xa8: {  	_ =	swait.ge [sflag:s23], $0x1  }
0xa9: {  	[sflag:s23] =	ssyncset.done $0x0  }
0xaa: {  	s25 =	simm.s32 $0x1B8E;
	s24 =	sld [smem:$0x3FFE];
	[sflag:s23] =	ssyncadd.s32 $0xFFFFFFFF  }
0xab: {  	s26 =	simm.s32 $execute0_lowered;
	[smem:$0x3FD2] =	sst s25  }
0xac: {  	s5 =	sshll.u32 s26, $0x1;
	_ =	strace $0x80000049;
	[dreg:$0x1] =	wrdreg $0xFFFFFFFF  }
0xad: {  	s28 =	simm.s32 $_size_execute0_lowered;
	s3 =	sadd.s32 s3, s5;
	[dreg:$0x0] =	wrdreg $0x0  }
0xae: {  	s5 =	sshll.u32 s28, $0x1;
	[dreg:$0x2] =	wrdreg s3  }
0xaf: {  	[dreg:$0x3] =	wrdreg s5  }
0xb0: {  	[dreg:$0x4] =	wrdreg $0xC0  }
0xb1: {  	_ =	task [dreg:s7], $0x5FFFF  }
0xb2: {  	[dreg:$0x1] =	wrdreg $0xFFFFFFFF  }
0xb3: {  	[dreg:$0x0] =	wrdreg $0x60  }
0xb4: {  	[dreg:$0x2] =	wrdreg s24  }
0xb5: {  	[dreg:$0x3] =	wrdreg s16  }
0xb6: {  	[dreg:$0x4] =	wrdreg $0x9  }
0xb7: {  	_ =	task.clear_ibuf [dreg:s7], $0x5FFFF;
	_ =	strace $0x90000049  }
0xb8: {  	s29 =	simm.s32 $0x9;
	_ =	strace $0x8000004B  }
0xb9: {  	_ =	swait.ge [sflag:s29], $0x1  }
0xba: {  	[sflag:s29] =	ssyncadd.s32 $0xFFFFFFFF  }
0xbb: {  	_ =	strace $0x9000004B  }
0xbc: {  	_ =	sfence  }
0xbd: {  	s30 =	sld [smem:$0x0];
	_ =	sdelay $0x2  }
0xbe: {  	s31 =	sshll.u32 s1, $0xD;
	s1 =	sshrl.u32 s1, $0x2  }
0xbf: {  	s3 =	sand.u32 $0x4000, s31;
	s1 =	sadd.s32 s1, s30  }
0xc0: {  	s0 =	sor.u32 s3, s0;
	s1 =	sshll.u32 s1, $0x11  }
0xc1: {  	s0 =	sor.u32 s1, s0  }
0xc2: {  	s0 =	sadd.s32 $0x8F2B, s0  }
0xc3: {  	[sflag:s0] =	ssyncadd.remote.s32 $0x1  }
0xc4: {  	_ =	sfence.sel $0xFFFF  }
0xc5: {  	[dreg:$0x0] =	wrdreg $0xFFFFFFFF;
	(pc) =	sbr.abs _section_cstart, $3  }
0xc6: {  	[dreg:$0x1] =	wrdreg $0xFFFFFFFF  }
0xc7: {  	_ =	task.clear_ibuf [dreg:s7], $0x2FFFF;
	_ =	strace $0x9FFFFFFF  }
0xc8: {  	(tm) =	ssettm $0x7FFFFFFF  }
0xc9: {  	_ =	shalt  }
tec
execute0_lowered:
.L_overlay_start_1:
0x0: {  	(tag) =	ssettag $0x1  }
0x1: {  	s0 =	rddreg [dreg:$0x0]  }
0x2: {  	s1 =	rddreg [dreg:$0x1]  }
0x3: {  	s3 =	srdreg.scid;
	s4 =	stileid.u32  }
0x4: {  	s2 =	simm.s32 $0x0;
	s14 =	simm.s32 $0xA00;
	s15 =	simm.s32 $0x1200  }
0x5: {  	s16 =	simm.s32 $0x1A00;
	s17 =	simm.s32 $0x2200;
	s18 =	simm.s32 $0x2A00  }
0x6: {  	s19 =	simm.s32 $0x3200;
	s20 =	simm.s32 $0x3A00;
	s21 =	simm.s32 $0x4200  }
0x7: {  	s22 =	simm.s32 $0x4A00;
	s23 =	simm.s32 $0x5200;
	s24 =	simm.s32 $0x5A00  }
0x8: {  	s28 =	simm.s32 $0x7200;
	s29 =	simm.s32 $0x7A00;
	s30 =	simm.s32 $0x8200  }
0x9: {  	s31 =	simm.s32 $0x8A00;
	s9 =	simm.s32 $0xAA00;
	s10 =	simm.s32 $0xB200  }
0xa: {  	s11 =	simm.s32 $0xBA00;
	s3 =	sand.u32 $0x1, s3;
	s4 =	sshll.u32 s4, $0x1  }
0xb: {  	s12 =	simm.s32 $0xC200;
	[smem:$0x7FF] =	sst s2;
	s4 =	sor.u32 s3, s4  }
0xc: {  	_ =	strace $0x8000004A;
	s5 =	ssub.s32 $0x2, s3;
	s3 =	sadd.s32 $0xFD000, s0  }
0xd: {  	s6 =	smul.u32 $0x6000, s4;
	s7 =	sshll.u32 s4, $0x6;
	s8 =	sshrl.u32 s5, $0x1  }
0xe: {  	s4 =	smul.u32 $0x30000, s4;
	s7 =	sadd.s32 s7, s0;
	s8 =	ssub.s32 s5, s8  }
0xf: {  	s5 =	sadd.s32 $0xFD100, s0;
	s25 =	sadd.s32 $0x800, s7;
	s6 =	sadd.s32 s1, s6  }
0x10: {  	s4 =	sshrl.u32 s4, $0x3;
	s8 =	smax.u32 s8, $0x1;
	[dreg:$0x3] =	wrdreg s25  }
0x11: {  	[dreg:$0x7] =	wrdreg s6;
	s6 =	sadd.s32 $0x1800, s6;
	s1 =	sadd.s32 s1, s4  }
0x12: {  	v2 =	vlaneseq.u32;
	s25 =	simm.s32 $0x6200;
	[dreg:$0x4] =	wrdreg s6;
	s4 =	sadd.s32 $0x3000, s1  }
0x13: {  	vm0 =	vmmov $0xffff;
	v1 =	vshrl.u32 v2, $0x3;
	s6 =	sadd.s32 $0xFD200, s0;
	s26 =	sadd.s32 $0x4800, s1;
	[dreg:$0x5] =	wrdreg s4  }
0x14: {  	v0 =	vand.u32 $0x7, v2;
	v2 =	vor.u32 $0x8, v2;
	v1 =	vmul.u32 $0x8, v1;
	[dreg:$0x6] =	wrdreg s26;
	s4 =	simm.s32 $0x3;
	s26 =	simm.s32 $0x6A00  }
.LBB2_1:
0x15: {  	s13 =	rddreg [dreg:$0x3];
	s0 =	simm.s32 $0x4  }
0x16: {  	[tilespmem:s2], [sflag:$0x4] =	stream.linear.gather [hbm4b:s13+s2], $0x200, $0x38;
	[tilespmem:$0x18200] =	vst v63  }
0x17: {  	_ =	swait.ge [sflag:s0], $0x200  }
0x18: {  	[sflag:s0] =	ssyncset.done $0x0  }
0x19: {  	[sflag:s0] =	ssyncadd.s32 $0xFFFFFE00  }
0x1a: {  	v3 =	vld [tilespmem:$0x0];
	_ =	sdelay $0x4  }
0x1b: {  	v4 =	vshrl.u32 v3, $0x3  }
0x1c: {  	v4 =	vmul.u32 $0x30, v4  }
0x1d: {  	v3 =	vand.u32 $0x7, v3  }
0x1e: {  	v3 =	vor.u32 v3, v4  }
0x1f: {  	v4 =	vperm.xlane v3, v0;
	_ =	sdelay $0x1  }
0x20: {  	v4 =	vadd.s32 v1, v4;
	_ =	sdelay $0x3  }
0x21: {  	s1 =	simm.s32 $0x200;
	v3 =	vperm.xlane v3, v2  }
0x22: {  	[tilespmem:s1], [sflag:$0x1] =	stream.indirect_vreg.gather [hbm4b:s3+s2], $0x80, v4, vm0, $0xb8;
	[tilespmem:$0x18200] =	vst v63  }
0x23: {  	v3 =	vadd.s32 v1, v3  }
0x24: {  	[tilespmem:s14], [sflag:$0x1] =	stream.indirect_vreg.gather [hbm4b:s5+s2], $0x80, v4, vm0, $0xb8;
	[tilespmem:$0x18200] =	vst v63  }
0x25: {  	_ = 	snop  }
0x26: {  	[tilespmem:s15], [sflag:$0x1] =	stream.indirect_vreg.gather [hbm4b:s6+s2], $0x80, v4, vm0, $0xb8;
	[tilespmem:$0x18200] =	vst v63  }
0x27: {  	_ = 	snop  }
0x28: {  	[tilespmem:s16], [sflag:$0x1] =	stream.indirect_vreg.gather [hbm4b:s3+s2], $0x80, v3, vm0, $0xb8;
	[tilespmem:$0x18200] =	vst v63  }
0x29: {  	_ = 	snop  }
0x2a: {  	[tilespmem:s17], [sflag:$0x1] =	stream.indirect_vreg.gather [hbm4b:s5+s2], $0x80, v3, vm0, $0xb8;
	[tilespmem:$0x18200] =	vst v63  }
0x2b: {  	_ = 	snop  }
0x2c: {  	[tilespmem:s18], [sflag:$0x1] =	stream.indirect_vreg.gather [hbm4b:s6+s2], $0x80, v3, vm0, $0xb8;
	[tilespmem:$0x18200] =	vst v63  }
0x2d: {  	v3 =	vld [tilespmem:$0x10];
	_ =	sdelay $0x4  }
0x2e: {  	v49 =	vshrl.u32 v3, $0x3  }
0x2f: {  	v4 =	vmul.u32 $0x30, v49  }
0x30: {  	v3 =	vand.u32 $0x7, v3  }
0x31: {  	v3 =	vor.u32 v3, v4  }
0x32: {  	v4 =	vperm.xlane v3, v0;
	_ =	sdelay $0x1  }
0x33: {  	v4 =	vadd.s32 v1, v4;
	_ =	sdelay $0x3  }
0x34: {  	v3 =	vperm.xlane v3, v2  }
0x35: {  	[tilespmem:s19], [sflag:$0x1] =	stream.indirect_vreg.gather [hbm4b:s3+s2], $0x80, v4, vm0, $0xb8;
	[tilespmem:$0x18200] =	vst v63  }
0x36: {  	v3 =	vadd.s32 v1, v3  }
0x37: {  	[tilespmem:s20], [sflag:$0x1] =	stream.indirect_vreg.gather [hbm4b:s5+s2], $0x80, v4, vm0, $0xb8;
	[tilespmem:$0x18200] =	vst v63  }
0x38: {  	_ = 	snop  }
0x39: {  	[tilespmem:s21], [sflag:$0x1] =	stream.indirect_vreg.gather [hbm4b:s6+s2], $0x80, v4, vm0, $0xb8;
	[tilespmem:$0x18200] =	vst v63  }
0x3a: {  	_ = 	snop  }
0x3b: {  	[tilespmem:s22], [sflag:$0x1] =	stream.indirect_vreg.gather [hbm4b:s3+s2], $0x80, v3, vm0, $0xb8;
	[tilespmem:$0x18200] =	vst v63  }
0x3c: {  	_ = 	snop  }
0x3d: {  	[tilespmem:s23], [sflag:$0x1] =	stream.indirect_vreg.gather [hbm4b:s5+s2], $0x80, v3, vm0, $0xb8;
	[tilespmem:$0x18200] =	vst v63  }
0x3e: {  	_ = 	snop  }
0x3f: {  	[tilespmem:s24], [sflag:$0x1] =	stream.indirect_vreg.gather [hbm4b:s6+s2], $0x80, v3, vm0, $0xb8;
	[tilespmem:$0x18200] =	vst v63  }
0x40: {  	v3 =	vld [tilespmem:$0x20];
	_ =	sdelay $0x4  }
0x41: {  	v50 =	vshrl.u32 v3, $0x3  }
0x42: {  	v4 =	vmul.u32 $0x30, v50  }
0x43: {  	v3 =	vand.u32 $0x7, v3  }
0x44: {  	v3 =	vor.u32 v3, v4  }
0x45: {  	v4 =	vperm.xlane v3, v0;
	_ =	sdelay $0x1  }
0x46: {  	v4 =	vadd.s32 v1, v4;
	_ =	sdelay $0x3  }
0x47: {  	v3 =	vperm.xlane v3, v2  }
0x48: {  	[tilespmem:s25], [sflag:$0x1] =	stream.indirect_vreg.gather [hbm4b:s3+s2], $0x80, v4, vm0, $0xb8;
	[tilespmem:$0x18200] =	vst v63  }
0x49: {  	v3 =	vadd.s32 v1, v3  }
0x4a: {  	[tilespmem:s26], [sflag:$0x1] =	stream.indirect_vreg.gather [hbm4b:s5+s2], $0x80, v4, vm0, $0xb8;
	[tilespmem:$0x18200] =	vst v63  }
0x4b: {  	_ = 	snop  }
0x4c: {  	[tilespmem:s28], [sflag:$0x1] =	stream.indirect_vreg.gather [hbm4b:s6+s2], $0x80, v4, vm0, $0xb8;
	[tilespmem:$0x18200] =	vst v63  }
0x4d: {  	_ = 	snop  }
0x4e: {  	[tilespmem:s29], [sflag:$0x1] =	stream.indirect_vreg.gather [hbm4b:s3+s2], $0x80, v3, vm0, $0xb8;
	[tilespmem:$0x18200] =	vst v63  }
0x4f: {  	_ = 	snop  }
0x50: {  	[tilespmem:s30], [sflag:$0x1] =	stream.indirect_vreg.gather [hbm4b:s5+s2], $0x80, v3, vm0, $0xb8;
	[tilespmem:$0x18200] =	vst v63  }
0x51: {  	_ = 	snop  }
0x52: {  	[tilespmem:s31], [sflag:$0x1] =	stream.indirect_vreg.gather [hbm4b:s6+s2], $0x80, v3, vm0, $0xb8;
	[tilespmem:$0x18200] =	vst v63  }
0x53: {  	v3 =	vld [tilespmem:$0x30];
	_ =	sdelay $0x4  }
0x54: {  	v51 =	vshrl.u32 v3, $0x3  }
0x55: {  	v4 =	vmul.u32 $0x30, v51  }
0x56: {  	v3 =	vand.u32 $0x7, v3  }
0x57: {  	v3 =	vor.u32 v3, v4  }
0x58: {  	v4 =	vperm.xlane v3, v0;
	_ =	sdelay $0x1  }
0x59: {  	v4 =	vadd.s32 v1, v4;
	_ =	sdelay $0x3  }
0x5a: {  	s7 =	simm.s32 $0x9200;
	v3 =	vperm.xlane v3, v2  }
0x5b: {  	[tilespmem:s7], [sflag:$0x1] =	stream.indirect_vreg.gather [hbm4b:s3+s2], $0x80, v4, vm0, $0xb8;
	[tilespmem:$0x18200] =	vst v63  }
0x5c: {  	s1 =	simm.s32 $0x9A00;
	v3 =	vadd.s32 v1, v3  }
0x5d: {  	[tilespmem:s1], [sflag:$0x1] =	stream.indirect_vreg.gather [hbm4b:s5+s2], $0x80, v4, vm0, $0xb8;
	[tilespmem:$0x18200] =	vst v63  }
0x5e: {  	s13 =	simm.s32 $0xA200  }
0x5f: {  	[tilespmem:s13], [sflag:$0x1] =	stream.indirect_vreg.gather [hbm4b:s6+s2], $0x80, v4, vm0, $0xb8;
	[tilespmem:$0x18200] =	vst v63  }
0x60: {  	_ = 	snop  }
0x61: {  	[tilespmem:s9], [sflag:$0x1] =	stream.indirect_vreg.gather [hbm4b:s3+s2], $0x80, v3, vm0, $0xb8;
	[tilespmem:$0x18200] =	vst v63  }
0x62: {  	_ = 	snop  }
0x63: {  	[tilespmem:s10], [sflag:$0x1] =	stream.indirect_vreg.gather [hbm4b:s5+s2], $0x80, v3, vm0, $0xb8;
	[tilespmem:$0x18200] =	vst v63  }
0x64: {  	_ = 	snop  }
0x65: {  	[tilespmem:s11], [sflag:$0x1] =	stream.indirect_vreg.gather [hbm4b:s6+s2], $0x80, v3, vm0, $0xb8;
	[tilespmem:$0x18200] =	vst v63  }
0x66: {  	v3 =	vld [tilespmem:$0x80];
	_ =	sdelay $0x4  }
0x67: {  	v52 =	vshrl.u32 v3, $0x3  }
0x68: {  	v4 =	vmul.u32 $0x30, v52  }
0x69: {  	v3 =	vand.u32 $0x7, v3  }
0x6a: {  	v3 =	vor.u32 v3, v4  }
0x6b: {  	v4 =	vperm.xlane v3, v0;
	_ =	sdelay $0x1  }
0x6c: {  	v4 =	vadd.s32 v1, v4;
	_ =	sdelay $0x3  }
0x6d: {  	v3 =	vperm.xlane v3, v2  }
0x6e: {  	[tilespmem:s12], [sflag:$0x2] =	stream.indirect_vreg.gather [hbm4b:s3+s2], $0x80, v4, vm0, $0xb8;
	[tilespmem:$0x18200] =	vst v63  }
0x6f: {  	s7 =	simm.s32 $0xCA00;
	v3 =	vadd.s32 v1, v3  }
0x70: {  	[tilespmem:s7], [sflag:$0x2] =	stream.indirect_vreg.gather [hbm4b:s5+s2], $0x80, v4, vm0, $0xb8;
	[tilespmem:$0x18200] =	vst v63  }
0x71: {  	s13 =	simm.s32 $0xD200  }
0x72: {  	[tilespmem:s13], [sflag:$0x2] =	stream.indirect_vreg.gather [hbm4b:s6+s2], $0x80, v4, vm0, $0xb8;
	[tilespmem:$0x18200] =	vst v63  }
0x73: {  	s7 =	simm.s32 $0xDA00  }
0x74: {  	[tilespmem:s7], [sflag:$0x2] =	stream.indirect_vreg.gather [hbm4b:s3+s2], $0x80, v3, vm0, $0xb8;
	[tilespmem:$0x18200] =	vst v63  }
0x75: {  	s13 =	simm.s32 $0xE200  }
0x76: {  	[tilespmem:s13], [sflag:$0x2] =	stream.indirect_vreg.gather [hbm4b:s5+s2], $0x80, v3, vm0, $0xb8;
	[tilespmem:$0x18200] =	vst v63  }
0x77: {  	s7 =	simm.s32 $0xEA00  }
0x78: {  	[tilespmem:s7], [sflag:$0x2] =	stream.indirect_vreg.gather [hbm4b:s6+s2], $0x80, v3, vm0, $0xb8;
	[tilespmem:$0x18200] =	vst v63  }
0x79: {  	v3 =	vld [tilespmem:$0x90];
	_ =	sdelay $0x4  }
0x7a: {  	v53 =	vshrl.u32 v3, $0x3  }
0x7b: {  	v4 =	vmul.u32 $0x30, v53  }
0x7c: {  	v3 =	vand.u32 $0x7, v3  }
0x7d: {  	v3 =	vor.u32 v3, v4  }
0x7e: {  	v4 =	vperm.xlane v3, v0;
	_ =	sdelay $0x1  }
0x7f: {  	v4 =	vadd.s32 v1, v4;
	_ =	sdelay $0x3  }
0x80: {  	s13 =	simm.s32 $0xF200;
	v3 =	vperm.xlane v3, v2  }
0x81: {  	[tilespmem:s13], [sflag:$0x2] =	stream.indirect_vreg.gather [hbm4b:s3+s2], $0x80, v4, vm0, $0xb8;
	[tilespmem:$0x18200] =	vst v63  }
0x82: {  	s7 =	simm.s32 $0xFA00;
	v3 =	vadd.s32 v1, v3  }
0x83: {  	[tilespmem:s7], [sflag:$0x2] =	stream.indirect_vreg.gather [hbm4b:s5+s2], $0x80, v4, vm0, $0xb8;
	[tilespmem:$0x18200] =	vst v63  }
0x84: {  	s13 =	simm.s32 $0x10200  }
0x85: {  	[tilespmem:s13], [sflag:$0x2] =	stream.indirect_vreg.gather [hbm4b:s6+s2], $0x80, v4, vm0, $0xb8;
	[tilespmem:$0x18200] =	vst v63  }
0x86: {  	s7 =	simm.s32 $0x10A00  }
0x87: {  	[tilespmem:s7], [sflag:$0x2] =	stream.indirect_vreg.gather [hbm4b:s3+s2], $0x80, v3, vm0, $0xb8;
	[tilespmem:$0x18200] =	vst v63  }
0x88: {  	s13 =	simm.s32 $0x11200  }
0x89: {  	[tilespmem:s13], [sflag:$0x2] =	stream.indirect_vreg.gather [hbm4b:s5+s2], $0x80, v3, vm0, $0xb8;
	[tilespmem:$0x18200] =	vst v63  }
0x8a: {  	s7 =	simm.s32 $0x11A00  }
0x8b: {  	[tilespmem:s7], [sflag:$0x2] =	stream.indirect_vreg.gather [hbm4b:s6+s2], $0x80, v3, vm0, $0xb8;
	[tilespmem:$0x18200] =	vst v63  }
0x8c: {  	v3 =	vld [tilespmem:$0xA0];
	_ =	sdelay $0x4  }
0x8d: {  	v54 =	vshrl.u32 v3, $0x3  }
0x8e: {  	v4 =	vmul.u32 $0x30, v54  }
0x8f: {  	v3 =	vand.u32 $0x7, v3  }
0x90: {  	v3 =	vor.u32 v3, v4  }
0x91: {  	v4 =	vperm.xlane v3, v0;
	_ =	sdelay $0x1  }
0x92: {  	v4 =	vadd.s32 v1, v4;
	_ =	sdelay $0x3  }
0x93: {  	s13 =	simm.s32 $0x12200;
	v3 =	vperm.xlane v3, v2  }
0x94: {  	[tilespmem:s13], [sflag:$0x2] =	stream.indirect_vreg.gather [hbm4b:s3+s2], $0x80, v4, vm0, $0xb8;
	[tilespmem:$0x18200] =	vst v63  }
0x95: {  	s7 =	simm.s32 $0x12A00;
	v3 =	vadd.s32 v1, v3  }
0x96: {  	[tilespmem:s7], [sflag:$0x2] =	stream.indirect_vreg.gather [hbm4b:s5+s2], $0x80, v4, vm0, $0xb8;
	[tilespmem:$0x18200] =	vst v63  }
0x97: {  	s13 =	simm.s32 $0x13200  }
0x98: {  	[tilespmem:s13], [sflag:$0x2] =	stream.indirect_vreg.gather [hbm4b:s6+s2], $0x80, v4, vm0, $0xb8;
	[tilespmem:$0x18200] =	vst v63  }
0x99: {  	s7 =	simm.s32 $0x13A00  }
0x9a: {  	[tilespmem:s7], [sflag:$0x2] =	stream.indirect_vreg.gather [hbm4b:s3+s2], $0x80, v3, vm0, $0xb8;
	[tilespmem:$0x18200] =	vst v63  }
0x9b: {  	s13 =	simm.s32 $0x14200  }
0x9c: {  	[tilespmem:s13], [sflag:$0x2] =	stream.indirect_vreg.gather [hbm4b:s5+s2], $0x80, v3, vm0, $0xb8;
	[tilespmem:$0x18200] =	vst v63  }
0x9d: {  	s7 =	simm.s32 $0x14A00  }
0x9e: {  	[tilespmem:s7], [sflag:$0x2] =	stream.indirect_vreg.gather [hbm4b:s6+s2], $0x80, v3, vm0, $0xb8;
	[tilespmem:$0x18200] =	vst v63  }
0x9f: {  	v3 =	vld [tilespmem:$0xB0];
	_ =	sdelay $0x4  }
0xa0: {  	v55 =	vshrl.u32 v3, $0x3  }
0xa1: {  	v4 =	vmul.u32 $0x30, v55  }
0xa2: {  	v3 =	vand.u32 $0x7, v3  }
0xa3: {  	v3 =	vor.u32 v3, v4  }
0xa4: {  	v4 =	vperm.xlane v3, v0;
	_ =	sdelay $0x1  }
0xa5: {  	v4 =	vadd.s32 v1, v4;
	_ =	sdelay $0x3  }
0xa6: {  	s13 =	simm.s32 $0x15200;
	v3 =	vperm.xlane v3, v2  }
0xa7: {  	[tilespmem:s13], [sflag:$0x2] =	stream.indirect_vreg.gather [hbm4b:s3+s2], $0x80, v4, vm0, $0xb8;
	[tilespmem:$0x18200] =	vst v63  }
0xa8: {  	s7 =	simm.s32 $0x15A00;
	v3 =	vadd.s32 v1, v3  }
0xa9: {  	[tilespmem:s7], [sflag:$0x2] =	stream.indirect_vreg.gather [hbm4b:s5+s2], $0x80, v4, vm0, $0xb8;
	[tilespmem:$0x18200] =	vst v63  }
0xaa: {  	s13 =	simm.s32 $0x16200  }
0xab: {  	[tilespmem:s13], [sflag:$0x2] =	stream.indirect_vreg.gather [hbm4b:s6+s2], $0x80, v4, vm0, $0xb8;
	[tilespmem:$0x18200] =	vst v63  }
0xac: {  	s7 =	simm.s32 $0x16A00  }
0xad: {  	[tilespmem:s7], [sflag:$0x2] =	stream.indirect_vreg.gather [hbm4b:s3+s2], $0x80, v3, vm0, $0xb8;
	[tilespmem:$0x18200] =	vst v63  }
0xae: {  	s13 =	simm.s32 $0x17200  }
0xaf: {  	[tilespmem:s13], [sflag:$0x2] =	stream.indirect_vreg.gather [hbm4b:s5+s2], $0x80, v3, vm0, $0xb8;
	[tilespmem:$0x18200] =	vst v63  }
0xb0: {  	s0 =	simm.s32 $0x1;
	s7 =	simm.s32 $0x17A00  }
0xb1: {  	[tilespmem:s7], [sflag:$0x2] =	stream.indirect_vreg.gather [hbm4b:s6+s2], $0x80, v3, vm0, $0xb8;
	[tilespmem:$0x18200] =	vst v63  }
0xb2: {  	_ =	swait.ge [sflag:s0], $0xC000  }
0xb3: {  	[sflag:s0] =	ssyncset.done $0x0  }
0xb4: {  	s7 =	simm.s32 $0x200;
	s13 =	rddreg [dreg:$0x7];
	[sflag:s0] =	ssyncadd.s32 $0xFFFF4000  }
0xb5: {  	[hbm4b:s13+s2] =	stream.linear.scatter [tilespmem:s7], [sflag:$0x3], $0xC000, $0x38;
	[tilespmem:$0x18200] =	vst v63  }
0xb6: {  	_ =	swait.ge [sflag:s4], $0xC000  }
0xb7: {  	[sflag:s4] =	ssyncset.done $0x0  }
0xb8: {  	[sflag:s4] =	ssyncadd.s32 $0xFFFF4000  }
0xb9: {  	v3 =	vld [tilespmem:$0x100];
	_ =	sdelay $0x4  }
0xba: {  	v56 =	vshrl.u32 v3, $0x3  }
0xbb: {  	v4 =	vmul.u32 $0x30, v56  }
0xbc: {  	v3 =	vand.u32 $0x7, v3  }
0xbd: {  	v3 =	vor.u32 v3, v4  }
0xbe: {  	v4 =	vperm.xlane v3, v0;
	_ =	sdelay $0x1  }
0xbf: {  	v4 =	vadd.s32 v1, v4;
	_ =	sdelay $0x3  }
0xc0: {  	v3 =	vperm.xlane v3, v2  }
0xc1: {  	[tilespmem:s7], [sflag:$0x1] =	stream.indirect_vreg.gather [hbm4b:s3+s2], $0x80, v4, vm0, $0xb8;
	[tilespmem:$0x18200] =	vst v63  }
0xc2: {  	v3 =	vadd.s32 v1, v3  }
0xc3: {  	[tilespmem:s14], [sflag:$0x1] =	stream.indirect_vreg.gather [hbm4b:s5+s2], $0x80, v4, vm0, $0xb8;
	[tilespmem:$0x18200] =	vst v63  }
0xc4: {  	_ = 	snop  }
0xc5: {  	[tilespmem:s15], [sflag:$0x1] =	stream.indirect_vreg.gather [hbm4b:s6+s2], $0x80, v4, vm0, $0xb8;
	[tilespmem:$0x18200] =	vst v63  }
0xc6: {  	_ = 	snop  }
0xc7: {  	[tilespmem:s16], [sflag:$0x1] =	stream.indirect_vreg.gather [hbm4b:s3+s2], $0x80, v3, vm0, $0xb8;
	[tilespmem:$0x18200] =	vst v63  }
0xc8: {  	_ = 	snop  }
0xc9: {  	[tilespmem:s17], [sflag:$0x1] =	stream.indirect_vreg.gather [hbm4b:s5+s2], $0x80, v3, vm0, $0xb8;
	[tilespmem:$0x18200] =	vst v63  }
0xca: {  	_ = 	snop  }
0xcb: {  	[tilespmem:s18], [sflag:$0x1] =	stream.indirect_vreg.gather [hbm4b:s6+s2], $0x80, v3, vm0, $0xb8;
	[tilespmem:$0x18200] =	vst v63  }
0xcc: {  	v3 =	vld [tilespmem:$0x110];
	_ =	sdelay $0x4  }
0xcd: {  	v57 =	vshrl.u32 v3, $0x3  }
0xce: {  	v4 =	vmul.u32 $0x30, v57  }
0xcf: {  	v3 =	vand.u32 $0x7, v3  }
0xd0: {  	v3 =	vor.u32 v3, v4  }
0xd1: {  	v4 =	vperm.xlane v3, v0;
	_ =	sdelay $0x1  }
0xd2: {  	v4 =	vadd.s32 v1, v4;
	_ =	sdelay $0x3  }
0xd3: {  	v3 =	vperm.xlane v3, v2  }
0xd4: {  	[tilespmem:s19], [sflag:$0x1] =	stream.indirect_vreg.gather [hbm4b:s3+s2], $0x80, v4, vm0, $0xb8;
	[tilespmem:$0x18200] =	vst v63  }
0xd5: {  	v3 =	vadd.s32 v1, v3  }
0xd6: {  	[tilespmem:s20], [sflag:$0x1] =	stream.indirect_vreg.gather [hbm4b:s5+s2], $0x80, v4, vm0, $0xb8;
	[tilespmem:$0x18200] =	vst v63  }
0xd7: {  	_ = 	snop  }
0xd8: {  	[tilespmem:s21], [sflag:$0x1] =	stream.indirect_vreg.gather [hbm4b:s6+s2], $0x80, v4, vm0, $0xb8;
	[tilespmem:$0x18200] =	vst v63  }
0xd9: {  	_ = 	snop  }
0xda: {  	[tilespmem:s22], [sflag:$0x1] =	stream.indirect_vreg.gather [hbm4b:s3+s2], $0x80, v3, vm0, $0xb8;
	[tilespmem:$0x18200] =	vst v63  }
0xdb: {  	_ = 	snop  }
0xdc: {  	[tilespmem:s23], [sflag:$0x1] =	stream.indirect_vreg.gather [hbm4b:s5+s2], $0x80, v3, vm0, $0xb8;
	[tilespmem:$0x18200] =	vst v63  }
0xdd: {  	_ = 	snop  }
0xde: {  	[tilespmem:s24], [sflag:$0x1] =	stream.indirect_vreg.gather [hbm4b:s6+s2], $0x80, v3, vm0, $0xb8;
	[tilespmem:$0x18200] =	vst v63  }
0xdf: {  	v3 =	vld [tilespmem:$0x120];
	_ =	sdelay $0x4  }
0xe0: {  	v58 =	vshrl.u32 v3, $0x3  }
0xe1: {  	v4 =	vmul.u32 $0x30, v58  }
0xe2: {  	v3 =	vand.u32 $0x7, v3  }
0xe3: {  	v3 =	vor.u32 v3, v4  }
0xe4: {  	v4 =	vperm.xlane v3, v0;
	_ =	sdelay $0x1  }
0xe5: {  	v4 =	vadd.s32 v1, v4;
	_ =	sdelay $0x3  }
0xe6: {  	v3 =	vperm.xlane v3, v2  }
0xe7: {  	[tilespmem:s25], [sflag:$0x1] =	stream.indirect_vreg.gather [hbm4b:s3+s2], $0x80, v4, vm0, $0xb8;
	[tilespmem:$0x18200] =	vst v63  }
0xe8: {  	v3 =	vadd.s32 v1, v3  }
0xe9: {  	[tilespmem:s26], [sflag:$0x1] =	stream.indirect_vreg.gather [hbm4b:s5+s2], $0x80, v4, vm0, $0xb8;
	[tilespmem:$0x18200] =	vst v63  }
0xea: {  	_ = 	snop  }
0xeb: {  	[tilespmem:s28], [sflag:$0x1] =	stream.indirect_vreg.gather [hbm4b:s6+s2], $0x80, v4, vm0, $0xb8;
	[tilespmem:$0x18200] =	vst v63  }
0xec: {  	_ = 	snop  }
0xed: {  	[tilespmem:s29], [sflag:$0x1] =	stream.indirect_vreg.gather [hbm4b:s3+s2], $0x80, v3, vm0, $0xb8;
	[tilespmem:$0x18200] =	vst v63  }
0xee: {  	_ = 	snop  }
0xef: {  	[tilespmem:s30], [sflag:$0x1] =	stream.indirect_vreg.gather [hbm4b:s5+s2], $0x80, v3, vm0, $0xb8;
	[tilespmem:$0x18200] =	vst v63  }
0xf0: {  	_ = 	snop  }
0xf1: {  	[tilespmem:s31], [sflag:$0x1] =	stream.indirect_vreg.gather [hbm4b:s6+s2], $0x80, v3, vm0, $0xb8;
	[tilespmem:$0x18200] =	vst v63  }
0xf2: {  	v3 =	vld [tilespmem:$0x130];
	_ =	sdelay $0x4  }
0xf3: {  	v59 =	vshrl.u32 v3, $0x3  }
0xf4: {  	v4 =	vmul.u32 $0x30, v59  }
0xf5: {  	v3 =	vand.u32 $0x7, v3  }
0xf6: {  	v3 =	vor.u32 v3, v4  }
0xf7: {  	v4 =	vperm.xlane v3, v0;
	_ =	sdelay $0x1  }
0xf8: {  	v4 =	vadd.s32 v1, v4;
	_ =	sdelay $0x3  }
0xf9: {  	s13 =	simm.s32 $0x9200;
	v3 =	vperm.xlane v3, v2  }
0xfa: {  	[tilespmem:s13], [sflag:$0x1] =	stream.indirect_vreg.gather [hbm4b:s3+s2], $0x80, v4, vm0, $0xb8;
	[tilespmem:$0x18200] =	vst v63  }
0xfb: {  	v3 =	vadd.s32 v1, v3  }
0xfc: {  	[tilespmem:s1], [sflag:$0x1] =	stream.indirect_vreg.gather [hbm4b:s5+s2], $0x80, v4, vm0, $0xb8;
	[tilespmem:$0x18200] =	vst v63  }
0xfd: {  	s13 =	simm.s32 $0xA200  }
0xfe: {  	[tilespmem:s13], [sflag:$0x1] =	stream.indirect_vreg.gather [hbm4b:s6+s2], $0x80, v4, vm0, $0xb8;
	[tilespmem:$0x18200] =	vst v63  }
0xff: {  	_ = 	snop  }
0x100: {  	[tilespmem:s9], [sflag:$0x1] =	stream.indirect_vreg.gather [hbm4b:s3+s2], $0x80, v3, vm0, $0xb8;
	[tilespmem:$0x18200] =	vst v63  }
0x101: {  	_ = 	snop  }
0x102: {  	[tilespmem:s10], [sflag:$0x1] =	stream.indirect_vreg.gather [hbm4b:s5+s2], $0x80, v3, vm0, $0xb8;
	[tilespmem:$0x18200] =	vst v63  }
0x103: {  	s1 =	simm.s32 $0x2  }
0x104: {  	[tilespmem:s11], [sflag:$0x1] =	stream.indirect_vreg.gather [hbm4b:s6+s2], $0x80, v3, vm0, $0xb8;
	[tilespmem:$0x18200] =	vst v63  }
0x105: {  	_ =	swait.ge [sflag:s1], $0xC000  }
0x106: {  	[sflag:s1] =	ssyncset.done $0x0  }
0x107: {  	s7 =	rddreg [dreg:$0x4];
	[sflag:s1] =	ssyncadd.s32 $0xFFFF4000  }
0x108: {  	[hbm4b:s7+s2] =	stream.linear.scatter [tilespmem:s12], [sflag:$0x3], $0xC000, $0x38;
	[tilespmem:$0x18200] =	vst v63  }
0x109: {  	_ =	swait.ge [sflag:s4], $0xC000  }
0x10a: {  	[sflag:s4] =	ssyncset.done $0x0  }
0x10b: {  	[sflag:s4] =	ssyncadd.s32 $0xFFFF4000  }
0x10c: {  	v3 =	vld [tilespmem:$0x180];
	_ =	sdelay $0x4  }
0x10d: {  	v60 =	vshrl.u32 v3, $0x3  }
0x10e: {  	v4 =	vmul.u32 $0x30, v60  }
0x10f: {  	v3 =	vand.u32 $0x7, v3  }
0x110: {  	v3 =	vor.u32 v3, v4  }
0x111: {  	v4 =	vperm.xlane v3, v0;
	_ =	sdelay $0x1  }
0x112: {  	v4 =	vadd.s32 v1, v4;
	_ =	sdelay $0x3  }
0x113: {  	v3 =	vperm.xlane v3, v2  }
0x114: {  	[tilespmem:s12], [sflag:$0x2] =	stream.indirect_vreg.gather [hbm4b:s3+s2], $0x80, v4, vm0, $0xb8;
	[tilespmem:$0x18200] =	vst v63  }
0x115: {  	s13 =	simm.s32 $0xCA00;
	v3 =	vadd.s32 v1, v3  }
0x116: {  	[tilespmem:s13], [sflag:$0x2] =	stream.indirect_vreg.gather [hbm4b:s5+s2], $0x80, v4, vm0, $0xb8;
	[tilespmem:$0x18200] =	vst v63  }
0x117: {  	s13 =	simm.s32 $0xD200  }
0x118: {  	[tilespmem:s13], [sflag:$0x2] =	stream.indirect_vreg.gather [hbm4b:s6+s2], $0x80, v4, vm0, $0xb8;
	[tilespmem:$0x18200] =	vst v63  }
0x119: {  	s13 =	simm.s32 $0xDA00  }
0x11a: {  	[tilespmem:s13], [sflag:$0x2] =	stream.indirect_vreg.gather [hbm4b:s3+s2], $0x80, v3, vm0, $0xb8;
	[tilespmem:$0x18200] =	vst v63  }
0x11b: {  	s13 =	simm.s32 $0xE200  }
0x11c: {  	[tilespmem:s13], [sflag:$0x2] =	stream.indirect_vreg.gather [hbm4b:s5+s2], $0x80, v3, vm0, $0xb8;
	[tilespmem:$0x18200] =	vst v63  }
0x11d: {  	s13 =	simm.s32 $0xEA00  }
0x11e: {  	[tilespmem:s13], [sflag:$0x2] =	stream.indirect_vreg.gather [hbm4b:s6+s2], $0x80, v3, vm0, $0xb8;
	[tilespmem:$0x18200] =	vst v63  }
0x11f: {  	v3 =	vld [tilespmem:$0x190];
	_ =	sdelay $0x4  }
0x120: {  	v61 =	vshrl.u32 v3, $0x3  }
0x121: {  	v4 =	vmul.u32 $0x30, v61  }
0x122: {  	v3 =	vand.u32 $0x7, v3  }
0x123: {  	v3 =	vor.u32 v3, v4  }
0x124: {  	v4 =	vperm.xlane v3, v0;
	_ =	sdelay $0x1  }
0x125: {  	v4 =	vadd.s32 v1, v4;
	_ =	sdelay $0x3  }
0x126: {  	s13 =	simm.s32 $0xF200;
	v3 =	vperm.xlane v3, v2  }
0x127: {  	[tilespmem:s13], [sflag:$0x2] =	stream.indirect_vreg.gather [hbm4b:s3+s2], $0x80, v4, vm0, $0xb8;
	[tilespmem:$0x18200] =	vst v63  }
0x128: {  	v3 =	vadd.s32 v1, v3;
	s13 =	simm.s32 $0xFA00  }
0x129: {  	[tilespmem:s13], [sflag:$0x2] =	stream.indirect_vreg.gather [hbm4b:s5+s2], $0x80, v4, vm0, $0xb8;
	[tilespmem:$0x18200] =	vst v63  }
0x12a: {  	s13 =	simm.s32 $0x10200  }
0x12b: {  	[tilespmem:s13], [sflag:$0x2] =	stream.indirect_vreg.gather [hbm4b:s6+s2], $0x80, v4, vm0, $0xb8;
	[tilespmem:$0x18200] =	vst v63  }
0x12c: {  	s13 =	simm.s32 $0x10A00  }
0x12d: {  	[tilespmem:s13], [sflag:$0x2] =	stream.indirect_vreg.gather [hbm4b:s3+s2], $0x80, v3, vm0, $0xb8;
	[tilespmem:$0x18200] =	vst v63  }
0x12e: {  	s13 =	simm.s32 $0x11200  }
0x12f: {  	[tilespmem:s13], [sflag:$0x2] =	stream.indirect_vreg.gather [hbm4b:s5+s2], $0x80, v3, vm0, $0xb8;
	[tilespmem:$0x18200] =	vst v63  }
0x130: {  	s13 =	simm.s32 $0x11A00  }
0x131: {  	[tilespmem:s13], [sflag:$0x2] =	stream.indirect_vreg.gather [hbm4b:s6+s2], $0x80, v3, vm0, $0xb8;
	[tilespmem:$0x18200] =	vst v63  }
0x132: {  	v3 =	vld [tilespmem:$0x1A0];
	_ =	sdelay $0x4  }
0x133: {  	v62 =	vshrl.u32 v3, $0x3  }
0x134: {  	v4 =	vmul.u32 $0x30, v62  }
0x135: {  	v3 =	vand.u32 $0x7, v3  }
0x136: {  	v3 =	vor.u32 v3, v4  }
0x137: {  	v4 =	vperm.xlane v3, v0;
	_ =	sdelay $0x1  }
0x138: {  	v4 =	vadd.s32 v1, v4;
	_ =	sdelay $0x3  }
0x139: {  	s13 =	simm.s32 $0x12200;
	v3 =	vperm.xlane v3, v2  }
0x13a: {  	[tilespmem:s13], [sflag:$0x2] =	stream.indirect_vreg.gather [hbm4b:s3+s2], $0x80, v4, vm0, $0xb8;
	[tilespmem:$0x18200] =	vst v63  }
0x13b: {  	v3 =	vadd.s32 v1, v3;
	s13 =	simm.s32 $0x12A00  }
0x13c: {  	[tilespmem:s13], [sflag:$0x2] =	stream.indirect_vreg.gather [hbm4b:s5+s2], $0x80, v4, vm0, $0xb8;
	[tilespmem:$0x18200] =	vst v63  }
0x13d: {  	s13 =	simm.s32 $0x13200  }
0x13e: {  	[tilespmem:s13], [sflag:$0x2] =	stream.indirect_vreg.gather [hbm4b:s6+s2], $0x80, v4, vm0, $0xb8;
	[tilespmem:$0x18200] =	vst v63  }
0x13f: {  	s13 =	simm.s32 $0x13A00  }
0x140: {  	[tilespmem:s13], [sflag:$0x2] =	stream.indirect_vreg.gather [hbm4b:s3+s2], $0x80, v3, vm0, $0xb8;
	[tilespmem:$0x18200] =	vst v63  }
0x141: {  	s13 =	simm.s32 $0x14200  }
0x142: {  	[tilespmem:s13], [sflag:$0x2] =	stream.indirect_vreg.gather [hbm4b:s5+s2], $0x80, v3, vm0, $0xb8;
	[tilespmem:$0x18200] =	vst v63  }
0x143: {  	s13 =	simm.s32 $0x14A00  }
0x144: {  	[tilespmem:s13], [sflag:$0x2] =	stream.indirect_vreg.gather [hbm4b:s6+s2], $0x80, v3, vm0, $0xb8;
	[tilespmem:$0x18200] =	vst v63  }
0x145: {  	v3 =	vld [tilespmem:$0x1B0];
	_ =	sdelay $0x4  }
0x146: {  	v63 =	vshrl.u32 v3, $0x3  }
0x147: {  	v4 =	vmul.u32 $0x30, v63  }
0x148: {  	v3 =	vand.u32 $0x7, v3  }
0x149: {  	v3 =	vor.u32 v3, v4  }
0x14a: {  	v4 =	vperm.xlane v3, v0;
	_ =	sdelay $0x1  }
0x14b: {  	v4 =	vadd.s32 v1, v4;
	_ =	sdelay $0x3  }
0x14c: {  	s13 =	simm.s32 $0x15200;
	v3 =	vperm.xlane v3, v2  }
0x14d: {  	[tilespmem:s13], [sflag:$0x2] =	stream.indirect_vreg.gather [hbm4b:s3+s2], $0x80, v4, vm0, $0xb8;
	[tilespmem:$0x18200] =	vst v63  }
0x14e: {  	v3 =	vadd.s32 v1, v3;
	s13 =	simm.s32 $0x15A00  }
0x14f: {  	[tilespmem:s13], [sflag:$0x2] =	stream.indirect_vreg.gather [hbm4b:s5+s2], $0x80, v4, vm0, $0xb8;
	[tilespmem:$0x18200] =	vst v63  }
0x150: {  	s13 =	simm.s32 $0x16200  }
0x151: {  	[tilespmem:s13], [sflag:$0x2] =	stream.indirect_vreg.gather [hbm4b:s6+s2], $0x80, v4, vm0, $0xb8;
	[tilespmem:$0x18200] =	vst v63  }
0x152: {  	s13 =	simm.s32 $0x16A00  }
0x153: {  	[tilespmem:s13], [sflag:$0x2] =	stream.indirect_vreg.gather [hbm4b:s3+s2], $0x80, v3, vm0, $0xb8;
	[tilespmem:$0x18200] =	vst v63  }
0x154: {  	s13 =	simm.s32 $0x17200  }
0x155: {  	[tilespmem:s13], [sflag:$0x2] =	stream.indirect_vreg.gather [hbm4b:s5+s2], $0x80, v3, vm0, $0xb8;
	[tilespmem:$0x18200] =	vst v63  }
0x156: {  	s13 =	simm.s32 $0x17A00  }
0x157: {  	[tilespmem:s13], [sflag:$0x2] =	stream.indirect_vreg.gather [hbm4b:s6+s2], $0x80, v3, vm0, $0xb8;
	[tilespmem:$0x18200] =	vst v63  }
0x158: {  	_ =	swait.ge [sflag:s0], $0xC000  }
0x159: {  	[sflag:s0] =	ssyncset.done $0x0  }
0x15a: {  	s7 =	simm.s32 $0x200;
	s13 =	rddreg [dreg:$0x5];
	[sflag:s0] =	ssyncadd.s32 $0xFFFF4000  }
0x15b: {  	[hbm4b:s13+s2] =	stream.linear.scatter [tilespmem:s7], [sflag:$0x3], $0xC000, $0x38;
	[tilespmem:$0x18200] =	vst v63  }
0x15c: {  	_ =	swait.ge [sflag:s4], $0xC000  }
0x15d: {  	[sflag:s4] =	ssyncset.done $0x0  }
0x15e: {  	[sflag:s4] =	ssyncadd.s32 $0xFFFF4000  }
0x15f: {  	_ =	swait.ge [sflag:s1], $0xC000  }
0x160: {  	p0 =	sne.s32 s8, $0x1;
	[sflag:s1] =	ssyncset.done $0x0  }
.Ltmp0:
0x161: {  	s7 =	rddreg [dreg:$0x6];
	[sflag:s1] =	ssyncadd.s32 $0xFFFF4000;
	(pc) =	sbr.rel @p0 .LBB2_1-.Ltmp0, $4  }
0x162: {  	[hbm4b:s7+s2] =	stream.linear.scatter [tilespmem:s12], [sflag:$0x3], $0xC000, $0x38;
	[tilespmem:$0x18200] =	vst v63  }
0x163: {  	_ =	swait.ge [sflag:s4], $0xC000  }
0x164: {  	[sflag:s4] =	ssyncset.done $0x0  }
0x165: {  	s8 =	sadd.s32 $0xFFFFFFFF, s8;
	[sflag:s4] =	ssyncadd.s32 $0xFFFF4000  }
0x166: {  	_ =	sfence.sel $0x180000  }
0x167: {  	[bflag:$0x0] =	sbarrier.arrive $0xFFFF  }
0x168: {  	_ =	strace $0x9000004A  }
0x169: {  	s0 =	stileid.u32;
	[bflag:$0x2] =	sbarrier.arrive $0xFFFF  }
0x16a: {  	p0 =	sne.s32 s0, $0x0;
	s0 =	rddreg [dreg:$0x2]  }
0x16b: {  	s0 =	sadd.s32 @!p0 $0x100000, s0  }
0x16c: {  	[sflag:s0] =	ssyncadd.tile.s32 @!p0 $0x1;
	_ =	shalt  }
.Lfunc_end2:
_tile_overlayer_lowered:
.L_overlay_start_2:
0x16d: {  	(tag) =	ssettag $0x2  }
0x16e: {  	s0 =	rddreg [dreg:$0x0];
	s2 =	stileid.u32  }
0x16f: {  	s1 =	rddreg [dreg:$0x1];
	p0 =	sne.s32 s2, $0x0  }
0x170: {  	s3 =	rddreg [dreg:$0x2];
	[bflag:$0x3] =	sbarrier.arrive $0xFFFF;
	s2 =	simm.s32 @!p0 $0x1C04  }
0x171: {  	[timem:s3], [sflag:s2] =	dma.local @!p0 [hbm:s0], s1  }
0x172: {  	s0 =	simm.s32 @!p0 $0x4  }
0x173: {  	_ =	swait.ge @!p0 [sflag:s0], s1  }
0x174: {  	s1 =	ssub.s32 @!p0 $0x0, s1;
	[sflag:s0] =	ssyncset.done @!p0 $0x0  }
0x175: {  	[sflag:s0] =	ssyncadd.s32 @!p0 s1  }
0x176: {  	[bflag:$0x3] =	sbarrier.arrive $0xFFFF  }
0x177: {  	_ =	shalt  }

</sc_bundles>
